<compile_context>
chip_gen: v7x
topology: tpu7x:2x2x1
jax: 0.10.2.dev20260603
libtpu: 0.0.44.dev20260713+nightly
codegen_flags: <defaults>
</compile_context>

<pallas_src>
import functools
import jax
import jax.numpy as jnp
from jax import lax
from jax.experimental import pallas as pl
from jax.experimental.pallas import tpu as pltpu
from jax.experimental.pallas import tpu_sc as plsc

_N = 2048
_R = 512
_NB = _N // _R
_M = 3 * _NB
_NBUF = 4
_D = 2


def _stream_body(x_ref, b1_ref, b2_ref, b3_ref,
                 w1_hbm, w2_hbm, w3_hbm,
                 o1_hbm, o2_hbm, o3_hbm, out_ref, h1_ref, h2_ref,
                 bufs, load_sems, store_sems):
    w_hbms = [w1_hbm, w2_hbm, w3_hbm]
    o_hbms = [o1_hbm, o2_hbm, o3_hbm]
    b_refs = [b1_ref, b2_ref, b3_ref]
    x_srcs = [x_ref, h1_ref, h2_ref]
    a_dsts = [h1_ref, h2_ref, out_ref]

    def load(k):
        l, b = divmod(k, _NB)
        s = k % _NBUF
        cp = pltpu.make_async_copy(
            w_hbms[l].at[pl.ds(b * _R, _R), :], bufs.at[s], load_sems.at[s])
        cp.start()
        return cp

    def store(k):
        l, b = divmod(k, _NB)
        s = k % _NBUF
        cp = pltpu.make_async_copy(
            bufs.at[s], o_hbms[l].at[pl.ds(b * _R, _R), :], store_sems.at[s])
        cp.start()
        return cp

    loads, stores = {}, {}
    for k in range(min(_D, _M)):
        loads[k] = load(k)

    for k in range(_M):
        l, b = divmod(k, _NB)
        s = k % _NBUF
        kd = k + _D
        if kd < _M:
            if kd >= _NBUF:
                stores[kd - _NBUF].wait()
            loads[kd] = load(kd)
        loads[k].wait()

        x = x_srcs[l][...]
        w = bufs[s]
        y = jnp.sum(w * x, axis=1)
        a = jnp.maximum(y + b_refs[l][pl.ds(b * _R, _R)], 0.0)
        a_dsts[l][0:1, pl.ds(b * _R, _R)] = a[None, :]

        stores[k] = store(k)

    for k in range(max(0, _M - _NBUF), _M):
        stores[k].wait()


def _stream(x, W1, b1, W2, b2, W3, b3):
    f32 = jnp.float32
    return pl.pallas_call(
        _stream_body,
        in_specs=[pl.BlockSpec(memory_space=pltpu.VMEM)] * 4
        + [pl.BlockSpec(memory_space=pl.ANY)] * 3,
        out_specs=[pl.BlockSpec(memory_space=pl.ANY)] * 3
        + [pl.BlockSpec(memory_space=pltpu.VMEM)] * 3,
        out_shape=[jax.ShapeDtypeStruct((_N, _N), f32)] * 3
        + [jax.ShapeDtypeStruct((1, _N), f32)] * 3,
        scratch_shapes=[
            pltpu.VMEM((_NBUF, _R, _N), f32),
            pltpu.SemaphoreType.DMA((_NBUF,)),
            pltpu.SemaphoreType.DMA((_NBUF,)),
        ],
    )(x, b1, b2, b3, W1, W2, W3)


def _sc_meta_body(x_hbm, h1_hbm, h2_hbm, out_hbm, meta_hbm,
                  w1_hbm, w2_hbm, w3_hbm, p_hbm,
                  acts_v, ws_v, mv, pv):
    wid = lax.axis_index("s") * 2 + lax.axis_index("c")

    @pl.when(wid == 0)
    def _():
        for i, src in enumerate((x_hbm, h1_hbm, h2_hbm, out_hbm)):
            pltpu.sync_copy(src.at[pl.ds(0, 16)], acts_v.at[i])
        for i, src in enumerate((w1_hbm, w2_hbm, w3_hbm)):
            pltpu.sync_copy(src.at[pl.ds(0, 16)], ws_v.at[i])
        pltpu.sync_copy(meta_hbm, mv)

        lane = lax.iota(jnp.int32, 16)
        izero = lane * 0
        inp = plsc.load_gather(acts_v, [lane, izero])
        aout = plsc.load_gather(acts_v, [jnp.minimum(lane + 1, 3), izero])
        w00 = plsc.load_gather(ws_v, [jnp.minimum(lane, 2), izero])
        m0 = plsc.load_gather(mv, [izero])
        m1 = plsc.load_gather(mv, [izero + 1])
        m2 = plsc.load_gather(mv, [izero + 2])
        mb = plsc.load_gather(mv, [izero + 3])
        p = m0 * inp + m1 * w00 + m2 * aout + mb
        pv[...] = p
        pltpu.sync_copy(pv, p_hbm)


def _sc_meta(xf, h1f, h2f, outf, meta_vec, W1f, W2f, W3f):
    mesh = plsc.VectorSubcoreMesh(core_axis_name="c", subcore_axis_name="s")
    f32 = jnp.float32
    fn = functools.partial(
        pl.kernel,
        out_type=jax.ShapeDtypeStruct((16,), f32),
        mesh=mesh,
        compiler_params=pltpu.CompilerParams(needs_layout_passes=False),
        scratch_types=[
            pltpu.VMEM((4, 16), f32),
            pltpu.VMEM((3, 16), f32),
            pltpu.VMEM((16,), f32),
            pltpu.VMEM((16,), f32),
        ],
    )(_sc_meta_body)
    return fn(xf, h1f, h2f, outf, meta_vec, W1f, W2f, W3f)


def _patch_body(p_ref, w1_ref, w2_ref, w3_ref, o1_ref, o2_ref, o3_ref):
    rows = jax.lax.broadcasted_iota(jnp.int32, (8, 128), 0)
    cols = jax.lax.broadcasted_iota(jnp.int32, (8, 128), 1)
    m = (rows == 0) & (cols == 0)
    for i, (w_ref, o_ref) in enumerate(
            ((w1_ref, o1_ref), (w2_ref, o2_ref), (w3_ref, o3_ref))):
        o_ref[...] = jnp.where(m, p_ref[i], w_ref[...])


def _patch(p, nw1, nw2, nw3):
    f32 = jnp.float32
    blk = pl.BlockSpec((8, 128), lambda i: (0, 0))
    return pl.pallas_call(
        _patch_body,
        grid=(1,),
        in_specs=[pl.BlockSpec(memory_space=pltpu.VMEM), blk, blk, blk],
        out_specs=[blk, blk, blk],
        out_shape=[jax.ShapeDtypeStruct((_N, _N), f32)] * 3,
        input_output_aliases={1: 0, 2: 1, 3: 2},
    )(p, nw1, nw2, nw3)


def kernel(x, W1, b1, W2, b2, W3, b3, meta_W, meta_b):
    nw1, nw2, nw3, out, h1, h2 = _stream(x, W1, b1, W2, b2, W3, b3)
    meta_vec = jnp.concatenate(
        [meta_W[0], meta_b, jnp.zeros((12,), jnp.float32)])
    p = _sc_meta(x.reshape(-1), h1.reshape(-1), h2.reshape(-1),
                 out.reshape(-1), meta_vec,
                 W1.reshape(-1), W2.reshape(-1), W3.reshape(-1))
    nw1, nw2, nw3 = _patch(p, nw1, nw2, nw3)
    return out, nw1, nw2, nw3

# --- scband reference (transcript-rebuilt; emitter-appended) ---
"""Pipeline reference for scband-single-net-38963943310048 (READ-ONLY COPY).

The authoritative reference and input builder live on the scoring server;
editing this copy changes nothing except your own understanding.
"""

import jax, jax.numpy as jnp
import numpy as np

IN, H1, H2, OUT = 2048, 2048, 2048, 2048


def _uniform(key, shape, fan_in):
    s = 1.0 / np.sqrt(fan_in)
    return jax.random.uniform(key, shape, jnp.float32, -s, s)


def setup_inputs(seed: int = 0) -> dict:
    key = jax.random.key(seed)
    ks = jax.random.split(key, 10)
    return {
        "x": jax.random.normal(ks[0], (1, IN), dtype=jnp.float32),
        "W1": _uniform(ks[1], (H1, IN), IN),
        "b1": _uniform(ks[2], (H1,), IN),
        "W2": _uniform(ks[3], (H2, H1), H1),
        "b2": _uniform(ks[4], (H2,), H1),
        "W3": _uniform(ks[5], (OUT, H2), H2),
        "b3": _uniform(ks[6], (OUT,), H2),
        "meta_W": jax.random.normal(ks[7], (1, 3), dtype=jnp.float32) * 0.1,
        "meta_b": jnp.zeros((1,), dtype=jnp.float32),
    }


def reference(x, W1, b1, W2, b2, W3, b3, meta_W, meta_b):
    # MLP forward (matches torch nn.Linear: y = x @ W.T + b, then ReLU)
    h0 = x
    h1 = jax.nn.relu(h0 @ W1.T + b1)
    h2 = jax.nn.relu(h1 @ W2.T + b2)
    out = jax.nn.relu(h2 @ W3.T + b3)

    impulse = [h0, h1, h2, out]
    layers = [W1, W2, W3]
    new_layers = []
    metadata = []
    for i in range(3):
        layer = layers[i]
        inp_l = impulse[i]       # [B, in_dim], B == 1
        out_l = impulse[i + 1]   # [B, out_dim]
        in_dim = inp_l.shape[1]
        out_dim = out_l.shape[1]
        # metadata construction: large [out_dim, in_dim, 3] tensors (memory-bound)
        input_stack = jnp.tile(inp_l, (out_dim, 1))          # [out_dim, in_dim]
        output_stack = jnp.tile(out_l, (in_dim, 1)).T        # [out_dim, in_dim]
        meta_inputs = jnp.stack((input_stack, layer, output_stack), axis=2)
        metadata.append(meta_inputs)
        # Hebbian-style per-element weight update. Torch loops over
        # range(len(input_layer)) == batch size == 1, updating the BxB block
        # via the meta network; vectorized scatter-overwrite here.
        B = inp_l.shape[0]
        idx = jnp.arange(B)
        oi, ii = jnp.meshgrid(idx, idx, indexing="ij")       # [B, B]
        triples = jnp.stack(
            [inp_l[0, ii], layer[oi, ii], out_l[0, oi]], axis=-1
        )  # [B, B, 3]
        new_w = triples @ meta_W[0] + meta_b[0]              # [B, B]
        layer = layer.at[oi, ii].set(new_w)                  # scatter-overwrite
        new_layers.append(layer)
    # torch returns `out` and mutates weights in-place; we return the updated
    # weights explicitly to expose the scatter side effect.
    return (out, new_layers[0], new_layers[1], new_layers[2])

if __name__ == "__main__":
    import jax
    _d = setup_inputs()
    print(jax.jit(kernel)(*tuple(_d.values())))

</pallas_src>

<mosaic_0001>
#map = affine_map<(d0, d1) -> (0)>
module attributes {stable_mosaic.version = 14 : i64} {
  func.func @_sc_meta_body(%arg0: i32, %arg1: i32, %arg2: memref<2048xf32, #tpu.memory_space<hbm>>, %arg3: memref<2048xf32, #tpu.memory_space<hbm>>, %arg4: memref<2048xf32, #tpu.memory_space<hbm>>, %arg5: memref<2048xf32, #tpu.memory_space<hbm>>, %arg6: memref<16xf32, #tpu.memory_space<hbm>>, %arg7: memref<4194304xf32, #tpu.memory_space<hbm>>, %arg8: memref<4194304xf32, #tpu.memory_space<hbm>>, %arg9: memref<4194304xf32, #tpu.memory_space<hbm>>, %arg10: memref<16xf32, #tpu.memory_space<hbm>>, %arg11: memref<4x16xf32, #tpu.memory_space<vmem>>, %arg12: memref<3x16xf32, #tpu.memory_space<vmem>>, %arg13: memref<16xf32, #tpu.memory_space<vmem>>, %arg14: memref<16xf32, #tpu.memory_space<vmem>>) attributes {dimension_semantics = [#tpu.dimension_semantics<core_parallel>, #tpu.dimension_semantics<subcore_parallel>], iteration_bounds = array<i64: 2, 16>, scalar_prefetch = 0 : i64, scratch_operands = 4 : i64, tpu.core_type = #tpu.core_type<sc_vector_subcore>, window_params = [{transform_indices = #map}, {transform_indices = #map}, {transform_indices = #map}, {transform_indices = #map}, {transform_indices = #map}, {transform_indices = #map}, {transform_indices = #map}, {transform_indices = #map}, {transform_indices = #map}]} {
    %mul3A = arith.constant 2 : i32
    %mul3A_0 = arith.muli %arg1, %mul3A : i32
    %add3A = arith.addi %mul3A_0, %arg0 : i32
    %eq3A = arith.constant 0 : i32
    %eq3A_1 = arith.cmpi eq, %add3A, %eq3A : i32
    %convert_element_type3A = arith.extui %eq3A_1 : i1 to i32
    %cond3A = arith.constant 0 : i32
    %cond3A_2 = arith.cmpi ne, %convert_element_type3A, %cond3A : i32
    scf.if %cond3A_2 {
      %run_scoped3A = arith.constant 0 : i32
      "tpu.region"() ({
        %run_scoped3A_42 = tpu.sem_alloc : memref<!tpu.dma_semaphore, #tpu.memory_space<semaphore_mem>>
        %dma_start3A = arith.constant 0 : i32
        %dma_start3A_43 = tpu.memref_slice %arg11[%run_scoped3A, %dma_start3A] : memref<4x16xf32, #tpu.memory_space<vmem>> -> memref<1x16xf32, #tpu.memory_space<vmem>>
        %dma_start3A_44 = tpu.memref_squeeze %dma_start3A_43 : memref<1x16xf32, #tpu.memory_space<vmem>> -> memref<16xf32, #tpu.memory_space<vmem>>
        %dma_start3A_45 = arith.constant 0 : i32
        %dma_start3A_46 = tpu.memref_slice %arg2[%dma_start3A_45] : memref<2048xf32, #tpu.memory_space<hbm>> -> memref<16xf32, #tpu.memory_space<hbm>>
        %dma_start3A_47 = arith.constant 0 : i32
        %dma_start3A_48 = tpu.memref_slice %arg11[%run_scoped3A, %dma_start3A_47] : memref<4x16xf32, #tpu.memory_space<vmem>> -> memref<1x16xf32, #tpu.memory_space<vmem>>
        %dma_start3A_49 = tpu.memref_squeeze %dma_start3A_48 : memref<1x16xf32, #tpu.memory_space<vmem>> -> memref<16xf32, #tpu.memory_space<vmem>>
        %dma_start3A_50 = arith.constant 0 : i32
        %dma_start3A_51 = tpu.memref_slice %arg2[%dma_start3A_50] : memref<2048xf32, #tpu.memory_space<hbm>> -> memref<16xf32, #tpu.memory_space<hbm>>
        tpu.enqueue_dma source(%dma_start3A_51 : memref<16xf32, #tpu.memory_space<hbm>>) target(%dma_start3A_49 : memref<16xf32, #tpu.memory_space<vmem>>) target_semaphore(%run_scoped3A_42 : memref<!tpu.dma_semaphore, #tpu.memory_space<semaphore_mem>>)
        %dma_wait3A = arith.constant 0 : i32
        %dma_wait3A_52 = tpu.memref_slice %arg11[%run_scoped3A, %dma_wait3A] : memref<4x16xf32, #tpu.memory_space<vmem>> -> memref<1x16xf32, #tpu.memory_space<vmem>>
        %dma_wait3A_53 = tpu.memref_squeeze %dma_wait3A_52 : memref<1x16xf32, #tpu.memory_space<vmem>> -> memref<16xf32, #tpu.memory_space<vmem>>
        %dma_wait3A_54 = arith.constant 0 : i32
        %dma_wait3A_55 = tpu.memref_slice %arg2[%dma_wait3A_54] : memref<2048xf32, #tpu.memory_space<hbm>> -> memref<16xf32, #tpu.memory_space<hbm>>
        %dma_wait3A_56 = arith.constant 0 : i32
        %dma_wait3A_57 = tpu.memref_slice %arg11[%run_scoped3A, %dma_wait3A_56] : memref<4x16xf32, #tpu.memory_space<vmem>> -> memref<1x16xf32, #tpu.memory_space<vmem>>
        %dma_wait3A_58 = tpu.memref_squeeze %dma_wait3A_57 : memref<1x16xf32, #tpu.memory_space<vmem>> -> memref<16xf32, #tpu.memory_space<vmem>>
        %dma_wait3A_59 = arith.constant 0 : i32
        %dma_wait3A_60 = tpu.memref_slice %arg2[%dma_wait3A_59] : memref<2048xf32, #tpu.memory_space<hbm>> -> memref<16xf32, #tpu.memory_space<hbm>>
        tpu.wait_dma2 semaphore(%run_scoped3A_42 : memref<!tpu.dma_semaphore, #tpu.memory_space<semaphore_mem>>) src(%dma_wait3A_60 : memref<16xf32, #tpu.memory_space<hbm>>) dst(%dma_wait3A_58 : memref<16xf32, #tpu.memory_space<vmem>>)
        tpu.yield
      }) : () -> ()
      %run_scoped3A_3 = arith.constant 1 : i32
      "tpu.region"() ({
        %run_scoped3A_42 = tpu.sem_alloc : memref<!tpu.dma_semaphore, #tpu.memory_space<semaphore_mem>>
        %dma_start3A = arith.constant 0 : i32
        %dma_start3A_43 = tpu.memref_slice %arg11[%run_scoped3A_3, %dma_start3A] : memref<4x16xf32, #tpu.memory_space<vmem>> -> memref<1x16xf32, #tpu.memory_space<vmem>>
        %dma_start3A_44 = tpu.memref_squeeze %dma_start3A_43 : memref<1x16xf32, #tpu.memory_space<vmem>> -> memref<16xf32, #tpu.memory_space<vmem>>
        %dma_start3A_45 = arith.constant 0 : i32
        %dma_start3A_46 = tpu.memref_slice %arg3[%dma_start3A_45] : memref<2048xf32, #tpu.memory_space<hbm>> -> memref<16xf32, #tpu.memory_space<hbm>>
        %dma_start3A_47 = arith.constant 0 : i32
        %dma_start3A_48 = tpu.memref_slice %arg11[%run_scoped3A_3, %dma_start3A_47] : memref<4x16xf32, #tpu.memory_space<vmem>> -> memref<1x16xf32, #tpu.memory_space<vmem>>
        %dma_start3A_49 = tpu.memref_squeeze %dma_start3A_48 : memref<1x16xf32, #tpu.memory_space<vmem>> -> memref<16xf32, #tpu.memory_space<vmem>>
        %dma_start3A_50 = arith.constant 0 : i32
        %dma_start3A_51 = tpu.memref_slice %arg3[%dma_start3A_50] : memref<2048xf32, #tpu.memory_space<hbm>> -> memref<16xf32, #tpu.memory_space<hbm>>
        tpu.enqueue_dma source(%dma_start3A_51 : memref<16xf32, #tpu.memory_space<hbm>>) target(%dma_start3A_49 : memref<16xf32, #tpu.memory_space<vmem>>) target_semaphore(%run_scoped3A_42 : memref<!tpu.dma_semaphore, #tpu.memory_space<semaphore_mem>>)
        %dma_wait3A = arith.constant 0 : i32
        %dma_wait3A_52 = tpu.memref_slice %arg11[%run_scoped3A_3, %dma_wait3A] : memref<4x16xf32, #tpu.memory_space<vmem>> -> memref<1x16xf32, #tpu.memory_space<vmem>>
        %dma_wait3A_53 = tpu.memref_squeeze %dma_wait3A_52 : memref<1x16xf32, #tpu.memory_space<vmem>> -> memref<16xf32, #tpu.memory_space<vmem>>
        %dma_wait3A_54 = arith.constant 0 : i32
        %dma_wait3A_55 = tpu.memref_slice %arg3[%dma_wait3A_54] : memref<2048xf32, #tpu.memory_space<hbm>> -> memref<16xf32, #tpu.memory_space<hbm>>
        %dma_wait3A_56 = arith.constant 0 : i32
        %dma_wait3A_57 = tpu.memref_slice %arg11[%run_scoped3A_3, %dma_wait3A_56] : memref<4x16xf32, #tpu.memory_space<vmem>> -> memref<1x16xf32, #tpu.memory_space<vmem>>
        %dma_wait3A_58 = tpu.memref_squeeze %dma_wait3A_57 : memref<1x16xf32, #tpu.memory_space<vmem>> -> memref<16xf32, #tpu.memory_space<vmem>>
        %dma_wait3A_59 = arith.constant 0 : i32
        %dma_wait3A_60 = tpu.memref_slice %arg3[%dma_wait3A_59] : memref<2048xf32, #tpu.memory_space<hbm>> -> memref<16xf32, #tpu.memory_space<hbm>>
        tpu.wait_dma2 semaphore(%run_scoped3A_42 : memref<!tpu.dma_semaphore, #tpu.memory_space<semaphore_mem>>) src(%dma_wait3A_60 : memref<16xf32, #tpu.memory_space<hbm>>) dst(%dma_wait3A_58 : memref<16xf32, #tpu.memory_space<vmem>>)
        tpu.yield
      }) : () -> ()
      %run_scoped3A_4 = arith.constant 2 : i32
      "tpu.region"() ({
        %run_scoped3A_42 = tpu.sem_alloc : memref<!tpu.dma_semaphore, #tpu.memory_space<semaphore_mem>>
        %dma_start3A = arith.constant 0 : i32
        %dma_start3A_43 = tpu.memref_slice %arg11[%run_scoped3A_4, %dma_start3A] : memref<4x16xf32, #tpu.memory_space<vmem>> -> memref<1x16xf32, #tpu.memory_space<vmem>>
        %dma_start3A_44 = tpu.memref_squeeze %dma_start3A_43 : memref<1x16xf32, #tpu.memory_space<vmem>> -> memref<16xf32, #tpu.memory_space<vmem>>
        %dma_start3A_45 = arith.constant 0 : i32
        %dma_start3A_46 = tpu.memref_slice %arg4[%dma_start3A_45] : memref<2048xf32, #tpu.memory_space<hbm>> -> memref<16xf32, #tpu.memory_space<hbm>>
        %dma_start3A_47 = arith.constant 0 : i32
        %dma_start3A_48 = tpu.memref_slice %arg11[%run_scoped3A_4, %dma_start3A_47] : memref<4x16xf32, #tpu.memory_space<vmem>> -> memref<1x16xf32, #tpu.memory_space<vmem>>
        %dma_start3A_49 = tpu.memref_squeeze %dma_start3A_48 : memref<1x16xf32, #tpu.memory_space<vmem>> -> memref<16xf32, #tpu.memory_space<vmem>>
        %dma_start3A_50 = arith.constant 0 : i32
        %dma_start3A_51 = tpu.memref_slice %arg4[%dma_start3A_50] : memref<2048xf32, #tpu.memory_space<hbm>> -> memref<16xf32, #tpu.memory_space<hbm>>
        tpu.enqueue_dma source(%dma_start3A_51 : memref<16xf32, #tpu.memory_space<hbm>>) target(%dma_start3A_49 : memref<16xf32, #tpu.memory_space<vmem>>) target_semaphore(%run_scoped3A_42 : memref<!tpu.dma_semaphore, #tpu.memory_space<semaphore_mem>>)
        %dma_wait3A = arith.constant 0 : i32
        %dma_wait3A_52 = tpu.memref_slice %arg11[%run_scoped3A_4, %dma_wait3A] : memref<4x16xf32, #tpu.memory_space<vmem>> -> memref<1x16xf32, #tpu.memory_space<vmem>>
        %dma_wait3A_53 = tpu.memref_squeeze %dma_wait3A_52 : memref<1x16xf32, #tpu.memory_space<vmem>> -> memref<16xf32, #tpu.memory_space<vmem>>
        %dma_wait3A_54 = arith.constant 0 : i32
        %dma_wait3A_55 = tpu.memref_slice %arg4[%dma_wait3A_54] : memref<2048xf32, #tpu.memory_space<hbm>> -> memref<16xf32, #tpu.memory_space<hbm>>
        %dma_wait3A_56 = arith.constant 0 : i32
        %dma_wait3A_57 = tpu.memref_slice %arg11[%run_scoped3A_4, %dma_wait3A_56] : memref<4x16xf32, #tpu.memory_space<vmem>> -> memref<1x16xf32, #tpu.memory_space<vmem>>
        %dma_wait3A_58 = tpu.memref_squeeze %dma_wait3A_57 : memref<1x16xf32, #tpu.memory_space<vmem>> -> memref<16xf32, #tpu.memory_space<vmem>>
        %dma_wait3A_59 = arith.constant 0 : i32
        %dma_wait3A_60 = tpu.memref_slice %arg4[%dma_wait3A_59] : memref<2048xf32, #tpu.memory_space<hbm>> -> memref<16xf32, #tpu.memory_space<hbm>>
        tpu.wait_dma2 semaphore(%run_scoped3A_42 : memref<!tpu.dma_semaphore, #tpu.memory_space<semaphore_mem>>) src(%dma_wait3A_60 : memref<16xf32, #tpu.memory_space<hbm>>) dst(%dma_wait3A_58 : memref<16xf32, #tpu.memory_space<vmem>>)
        tpu.yield
      }) : () -> ()
      %run_scoped3A_5 = arith.constant 3 : i32
      "tpu.region"() ({
        %run_scoped3A_42 = tpu.sem_alloc : memref<!tpu.dma_semaphore, #tpu.memory_space<semaphore_mem>>
        %dma_start3A = arith.constant 0 : i32
        %dma_start3A_43 = tpu.memref_slice %arg11[%run_scoped3A_5, %dma_start3A] : memref<4x16xf32, #tpu.memory_space<vmem>> -> memref<1x16xf32, #tpu.memory_space<vmem>>
        %dma_start3A_44 = tpu.memref_squeeze %dma_start3A_43 : memref<1x16xf32, #tpu.memory_space<vmem>> -> memref<16xf32, #tpu.memory_space<vmem>>
        %dma_start3A_45 = arith.constant 0 : i32
        %dma_start3A_46 = tpu.memref_slice %arg5[%dma_start3A_45] : memref<2048xf32, #tpu.memory_space<hbm>> -> memref<16xf32, #tpu.memory_space<hbm>>
        %dma_start3A_47 = arith.constant 0 : i32
        %dma_start3A_48 = tpu.memref_slice %arg11[%run_scoped3A_5, %dma_start3A_47] : memref<4x16xf32, #tpu.memory_space<vmem>> -> memref<1x16xf32, #tpu.memory_space<vmem>>
        %dma_start3A_49 = tpu.memref_squeeze %dma_start3A_48 : memref<1x16xf32, #tpu.memory_space<vmem>> -> memref<16xf32, #tpu.memory_space<vmem>>
        %dma_start3A_50 = arith.constant 0 : i32
        %dma_start3A_51 = tpu.memref_slice %arg5[%dma_start3A_50] : memref<2048xf32, #tpu.memory_space<hbm>> -> memref<16xf32, #tpu.memory_space<hbm>>
        tpu.enqueue_dma source(%dma_start3A_51 : memref<16xf32, #tpu.memory_space<hbm>>) target(%dma_start3A_49 : memref<16xf32, #tpu.memory_space<vmem>>) target_semaphore(%run_scoped3A_42 : memref<!tpu.dma_semaphore, #tpu.memory_space<semaphore_mem>>)
        %dma_wait3A = arith.constant 0 : i32
        %dma_wait3A_52 = tpu.memref_slice %arg11[%run_scoped3A_5, %dma_wait3A] : memref<4x16xf32, #tpu.memory_space<vmem>> -> memref<1x16xf32, #tpu.memory_space<vmem>>
        %dma_wait3A_53 = tpu.memref_squeeze %dma_wait3A_52 : memref<1x16xf32, #tpu.memory_space<vmem>> -> memref<16xf32, #tpu.memory_space<vmem>>
        %dma_wait3A_54 = arith.constant 0 : i32
        %dma_wait3A_55 = tpu.memref_slice %arg5[%dma_wait3A_54] : memref<2048xf32, #tpu.memory_space<hbm>> -> memref<16xf32, #tpu.memory_space<hbm>>
        %dma_wait3A_56 = arith.constant 0 : i32
        %dma_wait3A_57 = tpu.memref_slice %arg11[%run_scoped3A_5, %dma_wait3A_56] : memref<4x16xf32, #tpu.memory_space<vmem>> -> memref<1x16xf32, #tpu.memory_space<vmem>>
        %dma_wait3A_58 = tpu.memref_squeeze %dma_wait3A_57 : memref<1x16xf32, #tpu.memory_space<vmem>> -> memref<16xf32, #tpu.memory_space<vmem>>
        %dma_wait3A_59 = arith.constant 0 : i32
        %dma_wait3A_60 = tpu.memref_slice %arg5[%dma_wait3A_59] : memref<2048xf32, #tpu.memory_space<hbm>> -> memref<16xf32, #tpu.memory_space<hbm>>
        tpu.wait_dma2 semaphore(%run_scoped3A_42 : memref<!tpu.dma_semaphore, #tpu.memory_space<semaphore_mem>>) src(%dma_wait3A_60 : memref<16xf32, #tpu.memory_space<hbm>>) dst(%dma_wait3A_58 : memref<16xf32, #tpu.memory_space<vmem>>)
        tpu.yield
      }) : () -> ()
      %run_scoped3A_6 = arith.constant 0 : i32
      "tpu.region"() ({
        %run_scoped3A_42 = tpu.sem_alloc : memref<!tpu.dma_semaphore, #tpu.memory_space<semaphore_mem>>
        %dma_start3A = arith.constant 0 : i32
        %dma_start3A_43 = tpu.memref_slice %arg12[%run_scoped3A_6, %dma_start3A] : memref<3x16xf32, #tpu.memory_space<vmem>> -> memref<1x16xf32, #tpu.memory_space<vmem>>
        %dma_start3A_44 = tpu.memref_squeeze %dma_start3A_43 : memref<1x16xf32, #tpu.memory_space<vmem>> -> memref<16xf32, #tpu.memory_space<vmem>>
        %dma_start3A_45 = arith.constant 0 : i32
        %dma_start3A_46 = tpu.memref_slice %arg7[%dma_start3A_45] : memref<4194304xf32, #tpu.memory_space<hbm>> -> memref<16xf32, #tpu.memory_space<hbm>>
        %dma_start3A_47 = arith.constant 0 : i32
        %dma_start3A_48 = tpu.memref_slice %arg12[%run_scoped3A_6, %dma_start3A_47] : memref<3x16xf32, #tpu.memory_space<vmem>> -> memref<1x16xf32, #tpu.memory_space<vmem>>
        %dma_start3A_49 = tpu.memref_squeeze %dma_start3A_48 : memref<1x16xf32, #tpu.memory_space<vmem>> -> memref<16xf32, #tpu.memory_space<vmem>>
        %dma_start3A_50 = arith.constant 0 : i32
        %dma_start3A_51 = tpu.memref_slice %arg7[%dma_start3A_50] : memref<4194304xf32, #tpu.memory_space<hbm>> -> memref<16xf32, #tpu.memory_space<hbm>>
        tpu.enqueue_dma source(%dma_start3A_51 : memref<16xf32, #tpu.memory_space<hbm>>) target(%dma_start3A_49 : memref<16xf32, #tpu.memory_space<vmem>>) target_semaphore(%run_scoped3A_42 : memref<!tpu.dma_semaphore, #tpu.memory_space<semaphore_mem>>)
        %dma_wait3A = arith.constant 0 : i32
        %dma_wait3A_52 = tpu.memref_slice %arg12[%run_scoped3A_6, %dma_wait3A] : memref<3x16xf32, #tpu.memory_space<vmem>> -> memref<1x16xf32, #tpu.memory_space<vmem>>
        %dma_wait3A_53 = tpu.memref_squeeze %dma_wait3A_52 : memref<1x16xf32, #tpu.memory_space<vmem>> -> memref<16xf32, #tpu.memory_space<vmem>>
        %dma_wait3A_54 = arith.constant 0 : i32
        %dma_wait3A_55 = tpu.memref_slice %arg7[%dma_wait3A_54] : memref<4194304xf32, #tpu.memory_space<hbm>> -> memref<16xf32, #tpu.memory_space<hbm>>
        %dma_wait3A_56 = arith.constant 0 : i32
        %dma_wait3A_57 = tpu.memref_slice %arg12[%run_scoped3A_6, %dma_wait3A_56] : memref<3x16xf32, #tpu.memory_space<vmem>> -> memref<1x16xf32, #tpu.memory_space<vmem>>
        %dma_wait3A_58 = tpu.memref_squeeze %dma_wait3A_57 : memref<1x16xf32, #tpu.memory_space<vmem>> -> memref<16xf32, #tpu.memory_space<vmem>>
        %dma_wait3A_59 = arith.constant 0 : i32
        %dma_wait3A_60 = tpu.memref_slice %arg7[%dma_wait3A_59] : memref<4194304xf32, #tpu.memory_space<hbm>> -> memref<16xf32, #tpu.memory_space<hbm>>
        tpu.wait_dma2 semaphore(%run_scoped3A_42 : memref<!tpu.dma_semaphore, #tpu.memory_space<semaphore_mem>>) src(%dma_wait3A_60 : memref<16xf32, #tpu.memory_space<hbm>>) dst(%dma_wait3A_58 : memref<16xf32, #tpu.memory_space<vmem>>)
        tpu.yield
      }) : () -> ()
      %run_scoped3A_7 = arith.constant 1 : i32
      "tpu.region"() ({
        %run_scoped3A_42 = tpu.sem_alloc : memref<!tpu.dma_semaphore, #tpu.memory_space<semaphore_mem>>
        %dma_start3A = arith.constant 0 : i32
        %dma_start3A_43 = tpu.memref_slice %arg12[%run_scoped3A_7, %dma_start3A] : memref<3x16xf32, #tpu.memory_space<vmem>> -> memref<1x16xf32, #tpu.memory_space<vmem>>
        %dma_start3A_44 = tpu.memref_squeeze %dma_start3A_43 : memref<1x16xf32, #tpu.memory_space<vmem>> -> memref<16xf32, #tpu.memory_space<vmem>>
        %dma_start3A_45 = arith.constant 0 : i32
        %dma_start3A_46 = tpu.memref_slice %arg8[%dma_start3A_45] : memref<4194304xf32, #tpu.memory_space<hbm>> -> memref<16xf32, #tpu.memory_space<hbm>>
        %dma_start3A_47 = arith.constant 0 : i32
        %dma_start3A_48 = tpu.memref_slice %arg12[%run_scoped3A_7, %dma_start3A_47] : memref<3x16xf32, #tpu.memory_space<vmem>> -> memref<1x16xf32, #tpu.memory_space<vmem>>
        %dma_start3A_49 = tpu.memref_squeeze %dma_start3A_48 : memref<1x16xf32, #tpu.memory_space<vmem>> -> memref<16xf32, #tpu.memory_space<vmem>>
        %dma_start3A_50 = arith.constant 0 : i32
        %dma_start3A_51 = tpu.memref_slice %arg8[%dma_start3A_50] : memref<4194304xf32, #tpu.memory_space<hbm>> -> memref<16xf32, #tpu.memory_space<hbm>>
        tpu.enqueue_dma source(%dma_start3A_51 : memref<16xf32, #tpu.memory_space<hbm>>) target(%dma_start3A_49 : memref<16xf32, #tpu.memory_space<vmem>>) target_semaphore(%run_scoped3A_42 : memref<!tpu.dma_semaphore, #tpu.memory_space<semaphore_mem>>)
        %dma_wait3A = arith.constant 0 : i32
        %dma_wait3A_52 = tpu.memref_slice %arg12[%run_scoped3A_7, %dma_wait3A] : memref<3x16xf32, #tpu.memory_space<vmem>> -> memref<1x16xf32, #tpu.memory_space<vmem>>
        %dma_wait3A_53 = tpu.memref_squeeze %dma_wait3A_52 : memref<1x16xf32, #tpu.memory_space<vmem>> -> memref<16xf32, #tpu.memory_space<vmem>>
        %dma_wait3A_54 = arith.constant 0 : i32
        %dma_wait3A_55 = tpu.memref_slice %arg8[%dma_wait3A_54] : memref<4194304xf32, #tpu.memory_space<hbm>> -> memref<16xf32, #tpu.memory_space<hbm>>
        %dma_wait3A_56 = arith.constant 0 : i32
        %dma_wait3A_57 = tpu.memref_slice %arg12[%run_scoped3A_7, %dma_wait3A_56] : memref<3x16xf32, #tpu.memory_space<vmem>> -> memref<1x16xf32, #tpu.memory_space<vmem>>
        %dma_wait3A_58 = tpu.memref_squeeze %dma_wait3A_57 : memref<1x16xf32, #tpu.memory_space<vmem>> -> memref<16xf32, #tpu.memory_space<vmem>>
        %dma_wait3A_59 = arith.constant 0 : i32
        %dma_wait3A_60 = tpu.memref_slice %arg8[%dma_wait3A_59] : memref<4194304xf32, #tpu.memory_space<hbm>> -> memref<16xf32, #tpu.memory_space<hbm>>
        tpu.wait_dma2 semaphore(%run_scoped3A_42 : memref<!tpu.dma_semaphore, #tpu.memory_space<semaphore_mem>>) src(%dma_wait3A_60 : memref<16xf32, #tpu.memory_space<hbm>>) dst(%dma_wait3A_58 : memref<16xf32, #tpu.memory_space<vmem>>)
        tpu.yield
      }) : () -> ()
      %run_scoped3A_8 = arith.constant 2 : i32
      "tpu.region"() ({
        %run_scoped3A_42 = tpu.sem_alloc : memref<!tpu.dma_semaphore, #tpu.memory_space<semaphore_mem>>
        %dma_start3A = arith.constant 0 : i32
        %dma_start3A_43 = tpu.memref_slice %arg12[%run_scoped3A_8, %dma_start3A] : memref<3x16xf32, #tpu.memory_space<vmem>> -> memref<1x16xf32, #tpu.memory_space<vmem>>
        %dma_start3A_44 = tpu.memref_squeeze %dma_start3A_43 : memref<1x16xf32, #tpu.memory_space<vmem>> -> memref<16xf32, #tpu.memory_space<vmem>>
        %dma_start3A_45 = arith.constant 0 : i32
        %dma_start3A_46 = tpu.memref_slice %arg9[%dma_start3A_45] : memref<4194304xf32, #tpu.memory_space<hbm>> -> memref<16xf32, #tpu.memory_space<hbm>>
        %dma_start3A_47 = arith.constant 0 : i32
        %dma_start3A_48 = tpu.memref_slice %arg12[%run_scoped3A_8, %dma_start3A_47] : memref<3x16xf32, #tpu.memory_space<vmem>> -> memref<1x16xf32, #tpu.memory_space<vmem>>
        %dma_start3A_49 = tpu.memref_squeeze %dma_start3A_48 : memref<1x16xf32, #tpu.memory_space<vmem>> -> memref<16xf32, #tpu.memory_space<vmem>>
        %dma_start3A_50 = arith.constant 0 : i32
        %dma_start3A_51 = tpu.memref_slice %arg9[%dma_start3A_50] : memref<4194304xf32, #tpu.memory_space<hbm>> -> memref<16xf32, #tpu.memory_space<hbm>>
        tpu.enqueue_dma source(%dma_start3A_51 : memref<16xf32, #tpu.memory_space<hbm>>) target(%dma_start3A_49 : memref<16xf32, #tpu.memory_space<vmem>>) target_semaphore(%run_scoped3A_42 : memref<!tpu.dma_semaphore, #tpu.memory_space<semaphore_mem>>)
        %dma_wait3A = arith.constant 0 : i32
        %dma_wait3A_52 = tpu.memref_slice %arg12[%run_scoped3A_8, %dma_wait3A] : memref<3x16xf32, #tpu.memory_space<vmem>> -> memref<1x16xf32, #tpu.memory_space<vmem>>
        %dma_wait3A_53 = tpu.memref_squeeze %dma_wait3A_52 : memref<1x16xf32, #tpu.memory_space<vmem>> -> memref<16xf32, #tpu.memory_space<vmem>>
        %dma_wait3A_54 = arith.constant 0 : i32
        %dma_wait3A_55 = tpu.memref_slice %arg9[%dma_wait3A_54] : memref<4194304xf32, #tpu.memory_space<hbm>> -> memref<16xf32, #tpu.memory_space<hbm>>
        %dma_wait3A_56 = arith.constant 0 : i32
        %dma_wait3A_57 = tpu.memref_slice %arg12[%run_scoped3A_8, %dma_wait3A_56] : memref<3x16xf32, #tpu.memory_space<vmem>> -> memref<1x16xf32, #tpu.memory_space<vmem>>
        %dma_wait3A_58 = tpu.memref_squeeze %dma_wait3A_57 : memref<1x16xf32, #tpu.memory_space<vmem>> -> memref<16xf32, #tpu.memory_space<vmem>>
        %dma_wait3A_59 = arith.constant 0 : i32
        %dma_wait3A_60 = tpu.memref_slice %arg9[%dma_wait3A_59] : memref<4194304xf32, #tpu.memory_space<hbm>> -> memref<16xf32, #tpu.memory_space<hbm>>
        tpu.wait_dma2 semaphore(%run_scoped3A_42 : memref<!tpu.dma_semaphore, #tpu.memory_space<semaphore_mem>>) src(%dma_wait3A_60 : memref<16xf32, #tpu.memory_space<hbm>>) dst(%dma_wait3A_58 : memref<16xf32, #tpu.memory_space<vmem>>)
        tpu.yield
      }) : () -> ()
      "tpu.region"() ({
        %run_scoped3A_42 = tpu.sem_alloc : memref<!tpu.dma_semaphore, #tpu.memory_space<semaphore_mem>>
        tpu.enqueue_dma source(%arg6 : memref<16xf32, #tpu.memory_space<hbm>>) target(%arg13 : memref<16xf32, #tpu.memory_space<vmem>>) target_semaphore(%run_scoped3A_42 : memref<!tpu.dma_semaphore, #tpu.memory_space<semaphore_mem>>)
        tpu.wait_dma2 semaphore(%run_scoped3A_42 : memref<!tpu.dma_semaphore, #tpu.memory_space<semaphore_mem>>) src(%arg6 : memref<16xf32, #tpu.memory_space<hbm>>) dst(%arg13 : memref<16xf32, #tpu.memory_space<vmem>>)
        tpu.yield
      }) : () -> ()
      %iota3A = tpu.iota {dimensions = array<i32: 0>} : vector<16xi32>
      %mul3A_9 = arith.constant 0 : i32
      %mul3A_10 = vector.broadcast %mul3A_9 : i32 to vector<16xi32>
      %mul3A_11 = arith.muli %iota3A, %mul3A_10 : vector<16xi32>
      %gather3A = tpu.vector_load_idx %arg11[%iota3A, %mul3A_11] : memref<4x16xf32, #tpu.memory_space<vmem>>[vector<16xi32>, vector<16xi32>], vector<16xf32>,
      %add3A_12 = arith.constant 1 : i32
      %add3A_13 = vector.broadcast %add3A_12 : i32 to vector<16xi32>
      %add3A_14 = arith.addi %iota3A, %add3A_13 : vector<16xi32>
      %min3A = arith.constant 3 : i32
      %min3A_15 = vector.broadcast %min3A : i32 to vector<16xi32>
      %min3A_16 = arith.minsi %add3A_14, %min3A_15 : vector<16xi32>
      %gather3A_17 = tpu.vector_load_idx %arg11[%min3A_16, %mul3A_11] : memref<4x16xf32, #tpu.memory_space<vmem>>[vector<16xi32>, vector<16xi32>], vector<16xf32>,
      %min3A_18 = arith.constant 2 : i32
      %min3A_19 = vector.broadcast %min3A_18 : i32 to vector<16xi32>
      %min3A_20 = arith.minsi %iota3A, %min3A_19 : vector<16xi32>
      %gather3A_21 = tpu.vector_load_idx %arg12[%min3A_20, %mul3A_11] : memref<3x16xf32, #tpu.memory_space<vmem>>[vector<16xi32>, vector<16xi32>], vector<16xf32>,
      %gather3A_22 = tpu.vector_load_idx %arg13[%mul3A_11] : memref<16xf32, #tpu.memory_space<vmem>>[vector<16xi32>], vector<16xf32>,
      %add3A_23 = arith.constant 1 : i32
      %add3A_24 = vector.broadcast %add3A_23 : i32 to vector<16xi32>
      %add3A_25 = arith.addi %mul3A_11, %add3A_24 : vector<16xi32>
      %gather3A_26 = tpu.vector_load_idx %arg13[%add3A_25] : memref<16xf32, #tpu.memory_space<vmem>>[vector<16xi32>], vector<16xf32>,
      %add3A_27 = arith.constant 2 : i32
      %add3A_28 = vector.broadcast %add3A_27 : i32 to vector<16xi32>
      %add3A_29 = arith.addi %mul3A_11, %add3A_28 : vector<16xi32>
      %gather3A_30 = tpu.vector_load_idx %arg13[%add3A_29] : memref<16xf32, #tpu.memory_space<vmem>>[vector<16xi32>], vector<16xf32>,
      %add3A_31 = arith.constant 3 : i32
      %add3A_32 = vector.broadcast %add3A_31 : i32 to vector<16xi32>
      %add3A_33 = arith.addi %mul3A_11, %add3A_32 : vector<16xi32>
      %gather3A_34 = tpu.vector_load_idx %arg13[%add3A_33] : memref<16xf32, #tpu.memory_space<vmem>>[vector<16xi32>], vector<16xf32>,
      %mul3A_35 = arith.mulf %gather3A_22, %gather3A : vector<16xf32>
      %mul3A_36 = arith.mulf %gather3A_26, %gather3A_21 : vector<16xf32>
      %add3A_37 = arith.addf %mul3A_35, %mul3A_36 : vector<16xf32>
      %mul3A_38 = arith.mulf %gather3A_30, %gather3A_17 : vector<16xf32>
      %add3A_39 = arith.addf %add3A_37, %mul3A_38 : vector<16xf32>
      %add3A_40 = arith.addf %add3A_39, %gather3A_34 : vector<16xf32>
      %swap3A = arith.constant 0 : index
      %swap3A_41 = tpu.vector_load %arg14[%swap3A] {strides = array<i32>} : memref<16xf32, #tpu.memory_space<vmem>>, vector<16xf32>,
      tpu.vector_store %arg14[%swap3A], %add3A_40 {strides = array<i32>} : memref<16xf32, #tpu.memory_space<vmem>>, vector<16xf32>,
      "tpu.region"() ({
        %run_scoped3A_42 = tpu.sem_alloc : memref<!tpu.dma_semaphore, #tpu.memory_space<semaphore_mem>>
        tpu.enqueue_dma source(%arg14 : memref<16xf32, #tpu.memory_space<vmem>>) target(%arg10 : memref<16xf32, #tpu.memory_space<hbm>>) target_semaphore(%run_scoped3A_42 : memref<!tpu.dma_semaphore, #tpu.memory_space<semaphore_mem>>)
        tpu.wait_dma2 semaphore(%run_scoped3A_42 : memref<!tpu.dma_semaphore, #tpu.memory_space<semaphore_mem>>) src(%arg14 : memref<16xf32, #tpu.memory_space<vmem>>) dst(%arg10 : memref<16xf32, #tpu.memory_space<hbm>>)
        tpu.yield
      }) : () -> ()
    } else {
    }
    return
  }
}

module attributes {stable_mosaic.version = 14 : i64} {
  func.func @_stream_body(%arg0: memref<1x2048xf32, #tpu.memory_space<vmem>>, %arg1: memref<2048xf32, #tpu.memory_space<vmem>>, %arg2: memref<2048xf32, #tpu.memory_space<vmem>>, %arg3: memref<2048xf32, #tpu.memory_space<vmem>>, %arg4: memref<2048x2048xf32, #tpu.memory_space<any>>, %arg5: memref<2048x2048xf32, #tpu.memory_space<any>>, %arg6: memref<2048x2048xf32, #tpu.memory_space<any>>, %arg7: memref<2048x2048xf32, #tpu.memory_space<any>>, %arg8: memref<2048x2048xf32, #tpu.memory_space<any>>, %arg9: memref<2048x2048xf32, #tpu.memory_space<any>>, %arg10: memref<1x2048xf32, #tpu.memory_space<vmem>>, %arg11: memref<1x2048xf32, #tpu.memory_space<vmem>>, %arg12: memref<1x2048xf32, #tpu.memory_space<vmem>>, %arg13: memref<4x512x2048xf32, #tpu.memory_space<vmem>>, %arg14: memref<4x!tpu.dma_semaphore, #tpu.memory_space<semaphore_mem>>, %arg15: memref<4x!tpu.dma_semaphore, #tpu.memory_space<semaphore_mem>>) attributes {dimension_semantics = [], scalar_prefetch = 0 : i64, scratch_operands = 3 : i64, tpu.core_type = #tpu.core_type<tc>} {
    %dma_start3A = arith.constant 0 : i32
    %dma_start3A_0 = arith.constant 0 : i32
    %dma_start3A_1 = tpu.memref_slice %arg14[%dma_start3A_0] : memref<4x!tpu.dma_semaphore, #tpu.memory_space<semaphore_mem>> -> memref<1x!tpu.dma_semaphore, #tpu.memory_space<semaphore_mem>>
    %dma_start3A_2 = tpu.memref_squeeze %dma_start3A_1 : memref<1x!tpu.dma_semaphore, #tpu.memory_space<semaphore_mem>> -> memref<!tpu.dma_semaphore, #tpu.memory_space<semaphore_mem>>
    %dma_start3A_3 = arith.constant 0 : i32
    %dma_start3A_4 = arith.constant 0 : i32
    %dma_start3A_5 = tpu.memref_slice %arg13[%dma_start3A, %dma_start3A_3, %dma_start3A_4] : memref<4x512x2048xf32, #tpu.memory_space<vmem>> -> memref<1x512x2048xf32, #tpu.memory_space<vmem>>
    %dma_start3A_6 = tpu.memref_squeeze %dma_start3A_5 : memref<1x512x2048xf32, #tpu.memory_space<vmem>> -> memref<512x2048xf32, #tpu.memory_space<vmem>>
    %dma_start3A_7 = arith.constant 0 : i32
    %dma_start3A_8 = arith.constant 0 : i32
    %dma_start3A_9 = tpu.memref_slice %arg4[%dma_start3A_7, %dma_start3A_8] : memref<2048x2048xf32, #tpu.memory_space<any>> -> memref<512x2048xf32, #tpu.memory_space<any>>
    tpu.enqueue_dma source(%dma_start3A_9 : memref<512x2048xf32, #tpu.memory_space<any>>) target(%dma_start3A_6 : memref<512x2048xf32, #tpu.memory_space<vmem>>) target_semaphore(%dma_start3A_2 : memref<!tpu.dma_semaphore, #tpu.memory_space<semaphore_mem>>)
    %dma_start3A_10 = arith.constant 1 : i32
    %dma_start3A_11 = arith.constant 1 : i32
    %dma_start3A_12 = tpu.memref_slice %arg14[%dma_start3A_11] : memref<4x!tpu.dma_semaphore, #tpu.memory_space<semaphore_mem>> -> memref<1x!tpu.dma_semaphore, #tpu.memory_space<semaphore_mem>>
    %dma_start3A_13 = tpu.memref_squeeze %dma_start3A_12 : memref<1x!tpu.dma_semaphore, #tpu.memory_space<semaphore_mem>> -> memref<!tpu.dma_semaphore, #tpu.memory_space<semaphore_mem>>
    %dma_start3A_14 = arith.constant 0 : i32
    %dma_start3A_15 = arith.constant 0 : i32
    %dma_start3A_16 = tpu.memref_slice %arg13[%dma_start3A_10, %dma_start3A_14, %dma_start3A_15] : memref<4x512x2048xf32, #tpu.memory_space<vmem>> -> memref<1x512x2048xf32, #tpu.memory_space<vmem>>
    %dma_start3A_17 = tpu.memref_squeeze %dma_start3A_16 : memref<1x512x2048xf32, #tpu.memory_space<vmem>> -> memref<512x2048xf32, #tpu.memory_space<vmem>>
    %dma_start3A_18 = arith.constant 512 : i32
    %dma_start3A_19 = arith.constant 0 : i32
    %dma_start3A_20 = tpu.memref_slice %arg4[%dma_start3A_18, %dma_start3A_19] : memref<2048x2048xf32, #tpu.memory_space<any>> -> memref<512x2048xf32, #tpu.memory_space<any>>
    tpu.enqueue_dma source(%dma_start3A_20 : memref<512x2048xf32, #tpu.memory_space<any>>) target(%dma_start3A_17 : memref<512x2048xf32, #tpu.memory_space<vmem>>) target_semaphore(%dma_start3A_13 : memref<!tpu.dma_semaphore, #tpu.memory_space<semaphore_mem>>)
    %dma_start3A_21 = arith.constant 2 : i32
    %dma_start3A_22 = arith.constant 2 : i32
    %dma_start3A_23 = tpu.memref_slice %arg14[%dma_start3A_22] : memref<4x!tpu.dma_semaphore, #tpu.memory_space<semaphore_mem>> -> memref<1x!tpu.dma_semaphore, #tpu.memory_space<semaphore_mem>>
    %dma_start3A_24 = tpu.memref_squeeze %dma_start3A_23 : memref<1x!tpu.dma_semaphore, #tpu.memory_space<semaphore_mem>> -> memref<!tpu.dma_semaphore, #tpu.memory_space<semaphore_mem>>
    %dma_start3A_25 = arith.constant 0 : i32
    %dma_start3A_26 = arith.constant 0 : i32
    %dma_start3A_27 = tpu.memref_slice %arg13[%dma_start3A_21, %dma_start3A_25, %dma_start3A_26] : memref<4x512x2048xf32, #tpu.memory_space<vmem>> -> memref<1x512x2048xf32, #tpu.memory_space<vmem>>
    %dma_start3A_28 = tpu.memref_squeeze %dma_start3A_27 : memref<1x512x2048xf32, #tpu.memory_space<vmem>> -> memref<512x2048xf32, #tpu.memory_space<vmem>>
    %dma_start3A_29 = arith.constant 1024 : i32
    %dma_start3A_30 = arith.constant 0 : i32
    %dma_start3A_31 = tpu.memref_slice %arg4[%dma_start3A_29, %dma_start3A_30] : memref<2048x2048xf32, #tpu.memory_space<any>> -> memref<512x2048xf32, #tpu.memory_space<any>>
    tpu.enqueue_dma source(%dma_start3A_31 : memref<512x2048xf32, #tpu.memory_space<any>>) target(%dma_start3A_28 : memref<512x2048xf32, #tpu.memory_space<vmem>>) target_semaphore(%dma_start3A_24 : memref<!tpu.dma_semaphore, #tpu.memory_space<semaphore_mem>>)
    %dma_wait3A = arith.constant 0 : i32
    %dma_wait3A_32 = arith.constant 0 : i32
    %dma_wait3A_33 = tpu.memref_slice %arg14[%dma_wait3A_32] : memref<4x!tpu.dma_semaphore, #tpu.memory_space<semaphore_mem>> -> memref<1x!tpu.dma_semaphore, #tpu.memory_space<semaphore_mem>>
    %dma_wait3A_34 = tpu.memref_squeeze %dma_wait3A_33 : memref<1x!tpu.dma_semaphore, #tpu.memory_space<semaphore_mem>> -> memref<!tpu.dma_semaphore, #tpu.memory_space<semaphore_mem>>
    %dma_wait3A_35 = arith.constant 0 : i32
    %dma_wait3A_36 = arith.constant 0 : i32
    %dma_wait3A_37 = tpu.memref_slice %arg13[%dma_wait3A, %dma_wait3A_35, %dma_wait3A_36] : memref<4x512x2048xf32, #tpu.memory_space<vmem>> -> memref<1x512x2048xf32, #tpu.memory_space<vmem>>
    %dma_wait3A_38 = tpu.memref_squeeze %dma_wait3A_37 : memref<1x512x2048xf32, #tpu.memory_space<vmem>> -> memref<512x2048xf32, #tpu.memory_space<vmem>>
    %dma_wait3A_39 = arith.constant 0 : i32
    %dma_wait3A_40 = arith.constant 0 : i32
    %dma_wait3A_41 = tpu.memref_slice %arg4[%dma_wait3A_39, %dma_wait3A_40] : memref<2048x2048xf32, #tpu.memory_space<any>> -> memref<512x2048xf32, #tpu.memory_space<any>>
    tpu.wait_dma2 semaphore(%dma_wait3A_34 : memref<!tpu.dma_semaphore, #tpu.memory_space<semaphore_mem>>) src(%dma_wait3A_41 : memref<512x2048xf32, #tpu.memory_space<any>>) dst(%dma_wait3A_38 : memref<512x2048xf32, #tpu.memory_space<vmem>>)
    %get3A = arith.constant 0 : index
    %get3A_42 = arith.constant 0 : index
    %get3A_43 = vector.load %arg0[%get3A, %get3A_42] : memref<1x2048xf32, #tpu.memory_space<vmem>>, vector<1x2048xf32>
    %get3A_44 = arith.constant 0 : index
    %get3A_45 = arith.constant 0 : index
    %get3A_46 = arith.constant 0 : index
    %get3A_47 = vector.load %arg13[%get3A_44, %get3A_45, %get3A_46] : memref<4x512x2048xf32, #tpu.memory_space<vmem>>, vector<1x512x2048xf32>
    %get3A_48 = vector.shape_cast %get3A_47 : vector<1x512x2048xf32> to vector<512x2048xf32>
    %mul3A = vector.broadcast %get3A_43 : vector<1x2048xf32> to vector<512x2048xf32>
    %mul3A_49 = arith.mulf %get3A_48, %mul3A : vector<512x2048xf32>
    %reduce_sum3A = arith.constant dense<0.000000e+00> : vector<512xf32>
    %reduce_sum3A_50 = vector.multi_reduction <add>, %mul3A_49, %reduce_sum3A [1] : vector<512x2048xf32> to vector<512xf32>
    %get3A_51 = arith.constant 0 : index
    %get3A_52 = vector.load %arg1[%get3A_51] : memref<2048xf32, #tpu.memory_space<vmem>>, vector<512xf32>
    %add3A = arith.addf %reduce_sum3A_50, %get3A_52 : vector<512xf32>
    %max3A = arith.constant 0.000000e+00 : f32
    %max3A_53 = vector.broadcast %max3A : f32 to vector<512xf32>
    %max3A_54 = arith.maximumf %add3A, %max3A_53 : vector<512xf32>
    %broadcast_in_dim3A = vector.shape_cast %max3A_54 : vector<512xf32> to vector<1x512xf32>
    %swap3A = arith.constant 0 : index
    %swap3A_55 = arith.constant 0 : index
    %swap3A_56 = vector.load %arg11[%swap3A, %swap3A_55] : memref<1x2048xf32, #tpu.memory_space<vmem>>, vector<1x512xf32>
    tpu.vector_store %arg11[%swap3A, %swap3A_55], %broadcast_in_dim3A {strides = array<i32>} : memref<1x2048xf32, #tpu.memory_space<vmem>>, vector<1x512xf32>,
    %dma_start3A_57 = arith.constant 0 : i32
    %dma_start3A_58 = arith.constant 0 : i32
    %dma_start3A_59 = tpu.memref_slice %arg15[%dma_start3A_58] : memref<4x!tpu.dma_semaphore, #tpu.memory_space<semaphore_mem>> -> memref<1x!tpu.dma_semaphore, #tpu.memory_space<semaphore_mem>>
    %dma_start3A_60 = tpu.memref_squeeze %dma_start3A_59 : memref<1x!tpu.dma_semaphore, #tpu.memory_space<semaphore_mem>> -> memref<!tpu.dma_semaphore, #tpu.memory_space<semaphore_mem>>
    %dma_start3A_61 = arith.constant 0 : i32
    %dma_start3A_62 = arith.constant 0 : i32
    %dma_start3A_63 = tpu.memref_slice %arg7[%dma_start3A_61, %dma_start3A_62] : memref<2048x2048xf32, #tpu.memory_space<any>> -> memref<512x2048xf32, #tpu.memory_space<any>>
    %dma_start3A_64 = arith.constant 0 : i32
    %dma_start3A_65 = arith.constant 0 : i32
    %dma_start3A_66 = tpu.memref_slice %arg13[%dma_start3A_57, %dma_start3A_64, %dma_start3A_65] : memref<4x512x2048xf32, #tpu.memory_space<vmem>> -> memref<1x512x2048xf32, #tpu.memory_space<vmem>>
    %dma_start3A_67 = tpu.memref_squeeze %dma_start3A_66 : memref<1x512x2048xf32, #tpu.memory_space<vmem>> -> memref<512x2048xf32, #tpu.memory_space<vmem>>
    tpu.enqueue_dma source(%dma_start3A_67 : memref<512x2048xf32, #tpu.memory_space<vmem>>) target(%dma_start3A_63 : memref<512x2048xf32, #tpu.memory_space<any>>) target_semaphore(%dma_start3A_60 : memref<!tpu.dma_semaphore, #tpu.memory_space<semaphore_mem>>)
    %dma_start3A_68 = arith.constant 3 : i32
    %dma_start3A_69 = arith.constant 3 : i32
    %dma_start3A_70 = tpu.memref_slice %arg14[%dma_start3A_69] : memref<4x!tpu.dma_semaphore, #tpu.memory_space<semaphore_mem>> -> memref<1x!tpu.dma_semaphore, #tpu.memory_space<semaphore_mem>>
    %dma_start3A_71 = tpu.memref_squeeze %dma_start3A_70 : memref<1x!tpu.dma_semaphore, #tpu.memory_space<semaphore_mem>> -> memref<!tpu.dma_semaphore, #tpu.memory_space<semaphore_mem>>
    %dma_start3A_72 = arith.constant 0 : i32
    %dma_start3A_73 = arith.constant 0 : i32
    %dma_start3A_74 = tpu.memref_slice %arg13[%dma_start3A_68, %dma_start3A_72, %dma_start3A_73] : memref<4x512x2048xf32, #tpu.memory_space<vmem>> -> memref<1x512x2048xf32, #tpu.memory_space<vmem>>
    %dma_start3A_75 = tpu.memref_squeeze %dma_start3A_74 : memref<1x512x2048xf32, #tpu.memory_space<vmem>> -> memref<512x2048xf32, #tpu.memory_space<vmem>>
    %dma_start3A_76 = arith.constant 1536 : i32
    %dma_start3A_77 = arith.constant 0 : i32
    %dma_start3A_78 = tpu.memref_slice %arg4[%dma_start3A_76, %dma_start3A_77] : memref<2048x2048xf32, #tpu.memory_space<any>> -> memref<512x2048xf32, #tpu.memory_space<any>>
    tpu.enqueue_dma source(%dma_start3A_78 : memref<512x2048xf32, #tpu.memory_space<any>>) target(%dma_start3A_75 : memref<512x2048xf32, #tpu.memory_space<vmem>>) target_semaphore(%dma_start3A_71 : memref<!tpu.dma_semaphore, #tpu.memory_space<semaphore_mem>>)
    %dma_wait3A_79 = arith.constant 1 : i32
    %dma_wait3A_80 = arith.constant 1 : i32
    %dma_wait3A_81 = tpu.memref_slice %arg14[%dma_wait3A_80] : memref<4x!tpu.dma_semaphore, #tpu.memory_space<semaphore_mem>> -> memref<1x!tpu.dma_semaphore, #tpu.memory_space<semaphore_mem>>
    %dma_wait3A_82 = tpu.memref_squeeze %dma_wait3A_81 : memref<1x!tpu.dma_semaphore, #tpu.memory_space<semaphore_mem>> -> memref<!tpu.dma_semaphore, #tpu.memory_space<semaphore_mem>>
    %dma_wait3A_83 = arith.constant 0 : i32
    %dma_wait3A_84 = arith.constant 0 : i32
    %dma_wait3A_85 = tpu.memref_slice %arg13[%dma_wait3A_79, %dma_wait3A_83, %dma_wait3A_84] : memref<4x512x2048xf32, #tpu.memory_space<vmem>> -> memref<1x512x2048xf32, #tpu.memory_space<vmem>>
    %dma_wait3A_86 = tpu.memref_squeeze %dma_wait3A_85 : memref<1x512x2048xf32, #tpu.memory_space<vmem>> -> memref<512x2048xf32, #tpu.memory_space<vmem>>
    %dma_wait3A_87 = arith.constant 512 : i32
    %dma_wait3A_88 = arith.constant 0 : i32
    %dma_wait3A_89 = tpu.memref_slice %arg4[%dma_wait3A_87, %dma_wait3A_88] : memref<2048x2048xf32, #tpu.memory_space<any>> -> memref<512x2048xf32, #tpu.memory_space<any>>
    tpu.wait_dma2 semaphore(%dma_wait3A_82 : memref<!tpu.dma_semaphore, #tpu.memory_space<semaphore_mem>>) src(%dma_wait3A_89 : memref<512x2048xf32, #tpu.memory_space<any>>) dst(%dma_wait3A_86 : memref<512x2048xf32, #tpu.memory_space<vmem>>)
    %get3A_90 = arith.constant 0 : index
    %get3A_91 = arith.constant 0 : index
    %get3A_92 = vector.load %arg0[%get3A_90, %get3A_91] : memref<1x2048xf32, #tpu.memory_space<vmem>>, vector<1x2048xf32>
    %get3A_93 = arith.constant 1 : index
    %get3A_94 = arith.constant 0 : index
    %get3A_95 = arith.constant 0 : index
    %get3A_96 = vector.load %arg13[%get3A_93, %get3A_94, %get3A_95] : memref<4x512x2048xf32, #tpu.memory_space<vmem>>, vector<1x512x2048xf32>
    %get3A_97 = vector.shape_cast %get3A_96 : vector<1x512x2048xf32> to vector<512x2048xf32>
    %mul3A_98 = vector.broadcast %get3A_92 : vector<1x2048xf32> to vector<512x2048xf32>
    %mul3A_99 = arith.mulf %get3A_97, %mul3A_98 : vector<512x2048xf32>
    %reduce_sum3A_100 = arith.constant dense<0.000000e+00> : vector<512xf32>
    %reduce_sum3A_101 = vector.multi_reduction <add>, %mul3A_99, %reduce_sum3A_100 [1] : vector<512x2048xf32> to vector<512xf32>
    %get3A_102 = arith.constant 512 : index
    %get3A_103 = vector.load %arg1[%get3A_102] : memref<2048xf32, #tpu.memory_space<vmem>>, vector<512xf32>
    %add3A_104 = arith.addf %reduce_sum3A_101, %get3A_103 : vector<512xf32>
    %max3A_105 = arith.constant 0.000000e+00 : f32
    %max3A_106 = vector.broadcast %max3A_105 : f32 to vector<512xf32>
    %max3A_107 = arith.maximumf %add3A_104, %max3A_106 : vector<512xf32>
    %broadcast_in_dim3A_108 = vector.shape_cast %max3A_107 : vector<512xf32> to vector<1x512xf32>
    %swap3A_109 = arith.constant 0 : index
    %swap3A_110 = arith.constant 512 : index
    %swap3A_111 = vector.load %arg11[%swap3A_109, %swap3A_110] : memref<1x2048xf32, #tpu.memory_space<vmem>>, vector<1x512xf32>
    tpu.vector_store %arg11[%swap3A_109, %swap3A_110], %broadcast_in_dim3A_108 {strides = array<i32>} : memref<1x2048xf32, #tpu.memory_space<vmem>>, vector<1x512xf32>,
    %dma_start3A_112 = arith.constant 1 : i32
    %dma_start3A_113 = arith.constant 1 : i32
    %dma_start3A_114 = tpu.memref_slice %arg15[%dma_start3A_113] : memref<4x!tpu.dma_semaphore, #tpu.memory_space<semaphore_mem>> -> memref<1x!tpu.dma_semaphore, #tpu.memory_space<semaphore_mem>>
    %dma_start3A_115 = tpu.memref_squeeze %dma_start3A_114 : memref<1x!tpu.dma_semaphore, #tpu.memory_space<semaphore_mem>> -> memref<!tpu.dma_semaphore, #tpu.memory_space<semaphore_mem>>
    %dma_start3A_116 = arith.constant 512 : i32
    %dma_start3A_117 = arith.constant 0 : i32
    %dma_start3A_118 = tpu.memref_slice %arg7[%dma_start3A_116, %dma_start3A_117] : memref<2048x2048xf32, #tpu.memory_space<any>> -> memref<512x2048xf32, #tpu.memory_space<any>>
    %dma_start3A_119 = arith.constant 0 : i32
    %dma_start3A_120 = arith.constant 0 : i32
    %dma_start3A_121 = tpu.memref_slice %arg13[%dma_start3A_112, %dma_start3A_119, %dma_start3A_120] : memref<4x512x2048xf32, #tpu.memory_space<vmem>> -> memref<1x512x2048xf32, #tpu.memory_space<vmem>>
    %dma_start3A_122 = tpu.memref_squeeze %dma_start3A_121 : memref<1x512x2048xf32, #tpu.memory_space<vmem>> -> memref<512x2048xf32, #tpu.memory_space<vmem>>
    tpu.enqueue_dma source(%dma_start3A_122 : memref<512x2048xf32, #tpu.memory_space<vmem>>) target(%dma_start3A_118 : memref<512x2048xf32, #tpu.memory_space<any>>) target_semaphore(%dma_start3A_115 : memref<!tpu.dma_semaphore, #tpu.memory_space<semaphore_mem>>)
    %dma_wait3A_123 = arith.constant 0 : i32
    %dma_wait3A_124 = arith.constant 0 : i32
    %dma_wait3A_125 = tpu.memref_slice %arg15[%dma_wait3A_124] : memref<4x!tpu.dma_semaphore, #tpu.memory_space<semaphore_mem>> -> memref<1x!tpu.dma_semaphore, #tpu.memory_space<semaphore_mem>>
    %dma_wait3A_126 = tpu.memref_squeeze %dma_wait3A_125 : memref<1x!tpu.dma_semaphore, #tpu.memory_space<semaphore_mem>> -> memref<!tpu.dma_semaphore, #tpu.memory_space<semaphore_mem>>
    %dma_wait3A_127 = arith.constant 0 : i32
    %dma_wait3A_128 = arith.constant 0 : i32
    %dma_wait3A_129 = tpu.memref_slice %arg7[%dma_wait3A_127, %dma_wait3A_128] : memref<2048x2048xf32, #tpu.memory_space<any>> -> memref<512x2048xf32, #tpu.memory_space<any>>
    %dma_wait3A_130 = arith.constant 0 : i32
    %dma_wait3A_131 = arith.constant 0 : i32
    %dma_wait3A_132 = tpu.memref_slice %arg13[%dma_wait3A_123, %dma_wait3A_130, %dma_wait3A_131] : memref<4x512x2048xf32, #tpu.memory_space<vmem>> -> memref<1x512x2048xf32, #tpu.memory_space<vmem>>
    %dma_wait3A_133 = tpu.memref_squeeze %dma_wait3A_132 : memref<1x512x2048xf32, #tpu.memory_space<vmem>> -> memref<512x2048xf32, #tpu.memory_space<vmem>>
    tpu.wait_dma2 semaphore(%dma_wait3A_126 : memref<!tpu.dma_semaphore, #tpu.memory_space<semaphore_mem>>) src(%dma_wait3A_133 : memref<512x2048xf32, #tpu.memory_space<vmem>>) dst(%dma_wait3A_129 : memref<512x2048xf32, #tpu.memory_space<any>>)
    %dma_start3A_134 = arith.constant 0 : i32
    %dma_start3A_135 = arith.constant 0 : i32
    %dma_start3A_136 = tpu.memref_slice %arg14[%dma_start3A_135] : memref<4x!tpu.dma_semaphore, #tpu.memory_space<semaphore_mem>> -> memref<1x!tpu.dma_semaphore, #tpu.memory_space<semaphore_mem>>
    %dma_start3A_137 = tpu.memref_squeeze %dma_start3A_136 : memref<1x!tpu.dma_semaphore, #tpu.memory_space<semaphore_mem>> -> memref<!tpu.dma_semaphore, #tpu.memory_space<semaphore_mem>>
    %dma_start3A_138 = arith.constant 0 : i32
    %dma_start3A_139 = arith.constant 0 : i32
    %dma_start3A_140 = tpu.memref_slice %arg13[%dma_start3A_134, %dma_start3A_138, %dma_start3A_139] : memref<4x512x2048xf32, #tpu.memory_space<vmem>> -> memref<1x512x2048xf32, #tpu.memory_space<vmem>>
    %dma_start3A_141 = tpu.memref_squeeze %dma_start3A_140 : memref<1x512x2048xf32, #tpu.memory_space<vmem>> -> memref<512x2048xf32, #tpu.memory_space<vmem>>
    %dma_start3A_142 = arith.constant 0 : i32
    %dma_start3A_143 = arith.constant 0 : i32
    %dma_start3A_144 = tpu.memref_slice %arg5[%dma_start3A_142, %dma_start3A_143] : memref<2048x2048xf32, #tpu.memory_space<any>> -> memref<512x2048xf32, #tpu.memory_space<any>>
    tpu.enqueue_dma source(%dma_start3A_144 : memref<512x2048xf32, #tpu.memory_space<any>>) target(%dma_start3A_141 : memref<512x2048xf32, #tpu.memory_space<vmem>>) target_semaphore(%dma_start3A_137 : memref<!tpu.dma_semaphore, #tpu.memory_space<semaphore_mem>>)
    %dma_wait3A_145 = arith.constant 2 : i32
    %dma_wait3A_146 = arith.constant 2 : i32
    %dma_wait3A_147 = tpu.memref_slice %arg14[%dma_wait3A_146] : memref<4x!tpu.dma_semaphore, #tpu.memory_space<semaphore_mem>> -> memref<1x!tpu.dma_semaphore, #tpu.memory_space<semaphore_mem>>
    %dma_wait3A_148 = tpu.memref_squeeze %dma_wait3A_147 : memref<1x!tpu.dma_semaphore, #tpu.memory_space<semaphore_mem>> -> memref<!tpu.dma_semaphore, #tpu.memory_space<semaphore_mem>>
    %dma_wait3A_149 = arith.constant 0 : i32
    %dma_wait3A_150 = arith.constant 0 : i32
    %dma_wait3A_151 = tpu.memref_slice %arg13[%dma_wait3A_145, %dma_wait3A_149, %dma_wait3A_150] : memref<4x512x2048xf32, #tpu.memory_space<vmem>> -> memref<1x512x2048xf32, #tpu.memory_space<vmem>>
    %dma_wait3A_152 = tpu.memref_squeeze %dma_wait3A_151 : memref<1x512x2048xf32, #tpu.memory_space<vmem>> -> memref<512x2048xf32, #tpu.memory_space<vmem>>
    %dma_wait3A_153 = arith.constant 1024 : i32
    %dma_wait3A_154 = arith.constant 0 : i32
    %dma_wait3A_155 = tpu.memref_slice %arg4[%dma_wait3A_153, %dma_wait3A_154] : memref<2048x2048xf32, #tpu.memory_space<any>> -> memref<512x2048xf32, #tpu.memory_space<any>>
    tpu.wait_dma2 semaphore(%dma_wait3A_148 : memref<!tpu.dma_semaphore, #tpu.memory_space<semaphore_mem>>) src(%dma_wait3A_155 : memref<512x2048xf32, #tpu.memory_space<any>>) dst(%dma_wait3A_152 : memref<512x2048xf32, #tpu.memory_space<vmem>>)
    %get3A_156 = arith.constant 0 : index
    %get3A_157 = arith.constant 0 : index
    %get3A_158 = vector.load %arg0[%get3A_156, %get3A_157] : memref<1x2048xf32, #tpu.memory_space<vmem>>, vector<1x2048xf32>
    %get3A_159 = arith.constant 2 : index
    %get3A_160 = arith.constant 0 : index
    %get3A_161 = arith.constant 0 : index
    %get3A_162 = vector.load %arg13[%get3A_159, %get3A_160, %get3A_161] : memref<4x512x2048xf32, #tpu.memory_space<vmem>>, vector<1x512x2048xf32>
    %get3A_163 = vector.shape_cast %get3A_162 : vector<1x512x2048xf32> to vector<512x2048xf32>
    %mul3A_164 = vector.broadcast %get3A_158 : vector<1x2048xf32> to vector<512x2048xf32>
    %mul3A_165 = arith.mulf %get3A_163, %mul3A_164 : vector<512x2048xf32>
    %reduce_sum3A_166 = arith.constant dense<0.000000e+00> : vector<512xf32>
    %reduce_sum3A_167 = vector.multi_reduction <add>, %mul3A_165, %reduce_sum3A_166 [1] : vector<512x2048xf32> to vector<512xf32>
    %get3A_168 = arith.constant 1024 : index
    %get3A_169 = vector.load %arg1[%get3A_168] : memref<2048xf32, #tpu.memory_space<vmem>>, vector<512xf32>
    %add3A_170 = arith.addf %reduce_sum3A_167, %get3A_169 : vector<512xf32>
    %max3A_171 = arith.constant 0.000000e+00 : f32
    %max3A_172 = vector.broadcast %max3A_171 : f32 to vector<512xf32>
    %max3A_173 = arith.maximumf %add3A_170, %max3A_172 : vector<512xf32>
    %broadcast_in_dim3A_174 = vector.shape_cast %max3A_173 : vector<512xf32> to vector<1x512xf32>
    %swap3A_175 = arith.constant 0 : index
    %swap3A_176 = arith.constant 1024 : index
    %swap3A_177 = vector.load %arg11[%swap3A_175, %swap3A_176] : memref<1x2048xf32, #tpu.memory_space<vmem>>, vector<1x512xf32>
    tpu.vector_store %arg11[%swap3A_175, %swap3A_176], %broadcast_in_dim3A_174 {strides = array<i32>} : memref<1x2048xf32, #tpu.memory_space<vmem>>, vector<1x512xf32>,
    %dma_start3A_178 = arith.constant 2 : i32
    %dma_start3A_179 = arith.constant 2 : i32
    %dma_start3A_180 = tpu.memref_slice %arg15[%dma_start3A_179] : memref<4x!tpu.dma_semaphore, #tpu.memory_space<semaphore_mem>> -> memref<1x!tpu.dma_semaphore, #tpu.memory_space<semaphore_mem>>
    %dma_start3A_181 = tpu.memref_squeeze %dma_start3A_180 : memref<1x!tpu.dma_semaphore, #tpu.memory_space<semaphore_mem>> -> memref<!tpu.dma_semaphore, #tpu.memory_space<semaphore_mem>>
    %dma_start3A_182 = arith.constant 1024 : i32
    %dma_start3A_183 = arith.constant 0 : i32
    %dma_start3A_184 = tpu.memref_slice %arg7[%dma_start3A_182, %dma_start3A_183] : memref<2048x2048xf32, #tpu.memory_space<any>> -> memref<512x2048xf32, #tpu.memory_space<any>>
    %dma_start3A_185 = arith.constant 0 : i32
    %dma_start3A_186 = arith.constant 0 : i32
    %dma_start3A_187 = tpu.memref_slice %arg13[%dma_start3A_178, %dma_start3A_185, %dma_start3A_186] : memref<4x512x2048xf32, #tpu.memory_space<vmem>> -> memref<1x512x2048xf32, #tpu.memory_space<vmem>>
    %dma_start3A_188 = tpu.memref_squeeze %dma_start3A_187 : memref<1x512x2048xf32, #tpu.memory_space<vmem>> -> memref<512x2048xf32, #tpu.memory_space<vmem>>
    tpu.enqueue_dma source(%dma_start3A_188 : memref<512x2048xf32, #tpu.memory_space<vmem>>) target(%dma_start3A_184 : memref<512x2048xf32, #tpu.memory_space<any>>) target_semaphore(%dma_start3A_181 : memref<!tpu.dma_semaphore, #tpu.memory_space<semaphore_mem>>)
    %dma_wait3A_189 = arith.constant 1 : i32
    %dma_wait3A_190 = arith.constant 1 : i32
    %dma_wait3A_191 = tpu.memref_slice %arg15[%dma_wait3A_190] : memref<4x!tpu.dma_semaphore, #tpu.memory_space<semaphore_mem>> -> memref<1x!tpu.dma_semaphore, #tpu.memory_space<semaphore_mem>>
    %dma_wait3A_192 = tpu.memref_squeeze %dma_wait3A_191 : memref<1x!tpu.dma_semaphore, #tpu.memory_space<semaphore_mem>> -> memref<!tpu.dma_semaphore, #tpu.memory_space<semaphore_mem>>
    %dma_wait3A_193 = arith.constant 512 : i32
    %dma_wait3A_194 = arith.constant 0 : i32
    %dma_wait3A_195 = tpu.memref_slice %arg7[%dma_wait3A_193, %dma_wait3A_194] : memref<2048x2048xf32, #tpu.memory_space<any>> -> memref<512x2048xf32, #tpu.memory_space<any>>
    %dma_wait3A_196 = arith.constant 0 : i32
    %dma_wait3A_197 = arith.constant 0 : i32
    %dma_wait3A_198 = tpu.memref_slice %arg13[%dma_wait3A_189, %dma_wait3A_196, %dma_wait3A_197] : memref<4x512x2048xf32, #tpu.memory_space<vmem>> -> memref<1x512x2048xf32, #tpu.memory_space<vmem>>
    %dma_wait3A_199 = tpu.memref_squeeze %dma_wait3A_198 : memref<1x512x2048xf32, #tpu.memory_space<vmem>> -> memref<512x2048xf32, #tpu.memory_space<vmem>>
    tpu.wait_dma2 semaphore(%dma_wait3A_192 : memref<!tpu.dma_semaphore, #tpu.memory_space<semaphore_mem>>) src(%dma_wait3A_199 : memref<512x2048xf32, #tpu.memory_space<vmem>>) dst(%dma_wait3A_195 : memref<512x2048xf32, #tpu.memory_space<any>>)
    %dma_start3A_200 = arith.constant 1 : i32
    %dma_start3A_201 = arith.constant 1 : i32
    %dma_start3A_202 = tpu.memref_slice %arg14[%dma_start3A_201] : memref<4x!tpu.dma_semaphore, #tpu.memory_space<semaphore_mem>> -> memref<1x!tpu.dma_semaphore, #tpu.memory_space<semaphore_mem>>
    %dma_start3A_203 = tpu.memref_squeeze %dma_start3A_202 : memref<1x!tpu.dma_semaphore, #tpu.memory_space<semaphore_mem>> -> memref<!tpu.dma_semaphore, #tpu.memory_space<semaphore_mem>>
    %dma_start3A_204 = arith.constant 0 : i32
    %dma_start3A_205 = arith.constant 0 : i32
    %dma_start3A_206 = tpu.memref_slice %arg13[%dma_start3A_200, %dma_start3A_204, %dma_start3A_205] : memref<4x512x2048xf32, #tpu.memory_space<vmem>> -> memref<1x512x2048xf32, #tpu.memory_space<vmem>>
    %dma_start3A_207 = tpu.memref_squeeze %dma_start3A_206 : memref<1x512x2048xf32, #tpu.memory_space<vmem>> -> memref<512x2048xf32, #tpu.memory_space<vmem>>
    %dma_start3A_208 = arith.constant 512 : i32
    %dma_start3A_209 = arith.constant 0 : i32
    %dma_start3A_210 = tpu.memref_slice %arg5[%dma_start3A_208, %dma_start3A_209] : memref<2048x2048xf32, #tpu.memory_space<any>> -> memref<512x2048xf32, #tpu.memory_space<any>>
    tpu.enqueue_dma source(%dma_start3A_210 : memref<512x2048xf32, #tpu.memory_space<any>>) target(%dma_start3A_207 : memref<512x2048xf32, #tpu.memory_space<vmem>>) target_semaphore(%dma_start3A_203 : memref<!tpu.dma_semaphore, #tpu.memory_space<semaphore_mem>>)
    %dma_wait3A_211 = arith.constant 3 : i32
    %dma_wait3A_212 = arith.constant 3 : i32
    %dma_wait3A_213 = tpu.memref_slice %arg14[%dma_wait3A_212] : memref<4x!tpu.dma_semaphore, #tpu.memory_space<semaphore_mem>> -> memref<1x!tpu.dma_semaphore, #tpu.memory_space<semaphore_mem>>
    %dma_wait3A_214 = tpu.memref_squeeze %dma_wait3A_213 : memref<1x!tpu.dma_semaphore, #tpu.memory_space<semaphore_mem>> -> memref<!tpu.dma_semaphore, #tpu.memory_space<semaphore_mem>>
    %dma_wait3A_215 = arith.constant 0 : i32
    %dma_wait3A_216 = arith.constant 0 : i32
    %dma_wait3A_217 = tpu.memref_slice %arg13[%dma_wait3A_211, %dma_wait3A_215, %dma_wait3A_216] : memref<4x512x2048xf32, #tpu.memory_space<vmem>> -> memref<1x512x2048xf32, #tpu.memory_space<vmem>>
    %dma_wait3A_218 = tpu.memref_squeeze %dma_wait3A_217 : memref<1x512x2048xf32, #tpu.memory_space<vmem>> -> memref<512x2048xf32, #tpu.memory_space<vmem>>
    %dma_wait3A_219 = arith.constant 1536 : i32
    %dma_wait3A_220 = arith.constant 0 : i32
    %dma_wait3A_221 = tpu.memref_slice %arg4[%dma_wait3A_219, %dma_wait3A_220] : memref<2048x2048xf32, #tpu.memory_space<any>> -> memref<512x2048xf32, #tpu.memory_space<any>>
    tpu.wait_dma2 semaphore(%dma_wait3A_214 : memref<!tpu.dma_semaphore, #tpu.memory_space<semaphore_mem>>) src(%dma_wait3A_221 : memref<512x2048xf32, #tpu.memory_space<any>>) dst(%dma_wait3A_218 : memref<512x2048xf32, #tpu.memory_space<vmem>>)
    %get3A_222 = arith.constant 0 : index
    %get3A_223 = arith.constant 0 : index
    %get3A_224 = vector.load %arg0[%get3A_222, %get3A_223] : memref<1x2048xf32, #tpu.memory_space<vmem>>, vector<1x2048xf32>
    %get3A_225 = arith.constant 3 : index
    %get3A_226 = arith.constant 0 : index
    %get3A_227 = arith.constant 0 : index
    %get3A_228 = vector.load %arg13[%get3A_225, %get3A_226, %get3A_227] : memref<4x512x2048xf32, #tpu.memory_space<vmem>>, vector<1x512x2048xf32>
    %get3A_229 = vector.shape_cast %get3A_228 : vector<1x512x2048xf32> to vector<512x2048xf32>
    %mul3A_230 = vector.broadcast %get3A_224 : vector<1x2048xf32> to vector<512x2048xf32>
    %mul3A_231 = arith.mulf %get3A_229, %mul3A_230 : vector<512x2048xf32>
    %reduce_sum3A_232 = arith.constant dense<0.000000e+00> : vector<512xf32>
    %reduce_sum3A_233 = vector.multi_reduction <add>, %mul3A_231, %reduce_sum3A_232 [1] : vector<512x2048xf32> to vector<512xf32>
    %get3A_234 = arith.constant 1536 : index
    %get3A_235 = vector.load %arg1[%get3A_234] : memref<2048xf32, #tpu.memory_space<vmem>>, vector<512xf32>
    %add3A_236 = arith.addf %reduce_sum3A_233, %get3A_235 : vector<512xf32>
    %max3A_237 = arith.constant 0.000000e+00 : f32
    %max3A_238 = vector.broadcast %max3A_237 : f32 to vector<512xf32>
    %max3A_239 = arith.maximumf %add3A_236, %max3A_238 : vector<512xf32>
    %broadcast_in_dim3A_240 = vector.shape_cast %max3A_239 : vector<512xf32> to vector<1x512xf32>
    %swap3A_241 = arith.constant 0 : index
    %swap3A_242 = arith.constant 1536 : index
    %swap3A_243 = vector.load %arg11[%swap3A_241, %swap3A_242] : memref<1x2048xf32, #tpu.memory_space<vmem>>, vector<1x512xf32>
    tpu.vector_store %arg11[%swap3A_241, %swap3A_242], %broadcast_in_dim3A_240 {strides = array<i32>} : memref<1x2048xf32, #tpu.memory_space<vmem>>, vector<1x512xf32>,
    %dma_start3A_244 = arith.constant 3 : i32
    %dma_start3A_245 = arith.constant 3 : i32
    %dma_start3A_246 = tpu.memref_slice %arg15[%dma_start3A_245] : memref<4x!tpu.dma_semaphore, #tpu.memory_space<semaphore_mem>> -> memref<1x!tpu.dma_semaphore, #tpu.memory_space<semaphore_mem>>
    %dma_start3A_247 = tpu.memref_squeeze %dma_start3A_246 : memref<1x!tpu.dma_semaphore, #tpu.memory_space<semaphore_mem>> -> memref<!tpu.dma_semaphore, #tpu.memory_space<semaphore_mem>>
    %dma_start3A_248 = arith.constant 1536 : i32
    %dma_start3A_249 = arith.constant 0 : i32
    %dma_start3A_250 = tpu.memref_slice %arg7[%dma_start3A_248, %dma_start3A_249] : memref<2048x2048xf32, #tpu.memory_space<any>> -> memref<512x2048xf32, #tpu.memory_space<any>>
    %dma_start3A_251 = arith.constant 0 : i32
    %dma_start3A_252 = arith.constant 0 : i32
    %dma_start3A_253 = tpu.memref_slice %arg13[%dma_start3A_244, %dma_start3A_251, %dma_start3A_252] : memref<4x512x2048xf32, #tpu.memory_space<vmem>> -> memref<1x512x2048xf32, #tpu.memory_space<vmem>>
    %dma_start3A_254 = tpu.memref_squeeze %dma_start3A_253 : memref<1x512x2048xf32, #tpu.memory_space<vmem>> -> memref<512x2048xf32, #tpu.memory_space<vmem>>
    tpu.enqueue_dma source(%dma_start3A_254 : memref<512x2048xf32, #tpu.memory_space<vmem>>) target(%dma_start3A_250 : memref<512x2048xf32, #tpu.memory_space<any>>) target_semaphore(%dma_start3A_247 : memref<!tpu.dma_semaphore, #tpu.memory_space<semaphore_mem>>)
    %dma_wait3A_255 = arith.constant 2 : i32
    %dma_wait3A_256 = arith.constant 2 : i32
    %dma_wait3A_257 = tpu.memref_slice %arg15[%dma_wait3A_256] : memref<4x!tpu.dma_semaphore, #tpu.memory_space<semaphore_mem>> -> memref<1x!tpu.dma_semaphore, #tpu.memory_space<semaphore_mem>>
    %dma_wait3A_258 = tpu.memref_squeeze %dma_wait3A_257 : memref<1x!tpu.dma_semaphore, #tpu.memory_space<semaphore_mem>> -> memref<!tpu.dma_semaphore, #tpu.memory_space<semaphore_mem>>
    %dma_wait3A_259 = arith.constant 1024 : i32
    %dma_wait3A_260 = arith.constant 0 : i32
    %dma_wait3A_261 = tpu.memref_slice %arg7[%dma_wait3A_259, %dma_wait3A_260] : memref<2048x2048xf32, #tpu.memory_space<any>> -> memref<512x2048xf32, #tpu.memory_space<any>>
    %dma_wait3A_262 = arith.constant 0 : i32
    %dma_wait3A_263 = arith.constant 0 : i32
    %dma_wait3A_264 = tpu.memref_slice %arg13[%dma_wait3A_255, %dma_wait3A_262, %dma_wait3A_263] : memref<4x512x2048xf32, #tpu.memory_space<vmem>> -> memref<1x512x2048xf32, #tpu.memory_space<vmem>>
    %dma_wait3A_265 = tpu.memref_squeeze %dma_wait3A_264 : memref<1x512x2048xf32, #tpu.memory_space<vmem>> -> memref<512x2048xf32, #tpu.memory_space<vmem>>
    tpu.wait_dma2 semaphore(%dma_wait3A_258 : memref<!tpu.dma_semaphore, #tpu.memory_space<semaphore_mem>>) src(%dma_wait3A_265 : memref<512x2048xf32, #tpu.memory_space<vmem>>) dst(%dma_wait3A_261 : memref<512x2048xf32, #tpu.memory_space<any>>)
    %dma_start3A_266 = arith.constant 2 : i32
    %dma_start3A_267 = arith.constant 2 : i32
    %dma_start3A_268 = tpu.memref_slice %arg14[%dma_start3A_267] : memref<4x!tpu.dma_semaphore, #tpu.memory_space<semaphore_mem>> -> memref<1x!tpu.dma_semaphore, #tpu.memory_space<semaphore_mem>>
    %dma_start3A_269 = tpu.memref_squeeze %dma_start3A_268 : memref<1x!tpu.dma_semaphore, #tpu.memory_space<semaphore_mem>> -> memref<!tpu.dma_semaphore, #tpu.memory_space<semaphore_mem>>
    %dma_start3A_270 = arith.constant 0 : i32
    %dma_start3A_271 = arith.constant 0 : i32
    %dma_start3A_272 = tpu.memref_slice %arg13[%dma_start3A_266, %dma_start3A_270, %dma_start3A_271] : memref<4x512x2048xf32, #tpu.memory_space<vmem>> -> memref<1x512x2048xf32, #tpu.memory_space<vmem>>
    %dma_start3A_273 = tpu.memref_squeeze %dma_start3A_272 : memref<1x512x2048xf32, #tpu.memory_space<vmem>> -> memref<512x2048xf32, #tpu.memory_space<vmem>>
    %dma_start3A_274 = arith.constant 1024 : i32
    %dma_start3A_275 = arith.constant 0 : i32
    %dma_start3A_276 = tpu.memref_slice %arg5[%dma_start3A_274, %dma_start3A_275] : memref<2048x2048xf32, #tpu.memory_space<any>> -> memref<512x2048xf32, #tpu.memory_space<any>>
    tpu.enqueue_dma source(%dma_start3A_276 : memref<512x2048xf32, #tpu.memory_space<any>>) target(%dma_start3A_273 : memref<512x2048xf32, #tpu.memory_space<vmem>>) target_semaphore(%dma_start3A_269 : memref<!tpu.dma_semaphore, #tpu.memory_space<semaphore_mem>>)
    %dma_wait3A_277 = arith.constant 0 : i32
    %dma_wait3A_278 = arith.constant 0 : i32
    %dma_wait3A_279 = tpu.memref_slice %arg14[%dma_wait3A_278] : memref<4x!tpu.dma_semaphore, #tpu.memory_space<semaphore_mem>> -> memref<1x!tpu.dma_semaphore, #tpu.memory_space<semaphore_mem>>
    %dma_wait3A_280 = tpu.memref_squeeze %dma_wait3A_279 : memref<1x!tpu.dma_semaphore, #tpu.memory_space<semaphore_mem>> -> memref<!tpu.dma_semaphore, #tpu.memory_space<semaphore_mem>>
    %dma_wait3A_281 = arith.constant 0 : i32
    %dma_wait3A_282 = arith.constant 0 : i32
    %dma_wait3A_283 = tpu.memref_slice %arg13[%dma_wait3A_277, %dma_wait3A_281, %dma_wait3A_282] : memref<4x512x2048xf32, #tpu.memory_space<vmem>> -> memref<1x512x2048xf32, #tpu.memory_space<vmem>>
    %dma_wait3A_284 = tpu.memref_squeeze %dma_wait3A_283 : memref<1x512x2048xf32, #tpu.memory_space<vmem>> -> memref<512x2048xf32, #tpu.memory_space<vmem>>
    %dma_wait3A_285 = arith.constant 0 : i32
    %dma_wait3A_286 = arith.constant 0 : i32
    %dma_wait3A_287 = tpu.memref_slice %arg5[%dma_wait3A_285, %dma_wait3A_286] : memref<2048x2048xf32, #tpu.memory_space<any>> -> memref<512x2048xf32, #tpu.memory_space<any>>
    tpu.wait_dma2 semaphore(%dma_wait3A_280 : memref<!tpu.dma_semaphore, #tpu.memory_space<semaphore_mem>>) src(%dma_wait3A_287 : memref<512x2048xf32, #tpu.memory_space<any>>) dst(%dma_wait3A_284 : memref<512x2048xf32, #tpu.memory_space<vmem>>)
    %get3A_288 = arith.constant 0 : index
    %get3A_289 = arith.constant 0 : index
    %get3A_290 = vector.load %arg11[%get3A_288, %get3A_289] : memref<1x2048xf32, #tpu.memory_space<vmem>>, vector<1x2048xf32>
    %get3A_291 = arith.constant 0 : index
    %get3A_292 = arith.constant 0 : index
    %get3A_293 = arith.constant 0 : index
    %get3A_294 = vector.load %arg13[%get3A_291, %get3A_292, %get3A_293] : memref<4x512x2048xf32, #tpu.memory_space<vmem>>, vector<1x512x2048xf32>
    %get3A_295 = vector.shape_cast %get3A_294 : vector<1x512x2048xf32> to vector<512x2048xf32>
    %mul3A_296 = vector.broadcast %get3A_290 : vector<1x2048xf32> to vector<512x2048xf32>
    %mul3A_297 = arith.mulf %get3A_295, %mul3A_296 : vector<512x2048xf32>
    %reduce_sum3A_298 = arith.constant dense<0.000000e+00> : vector<512xf32>
    %reduce_sum3A_299 = vector.multi_reduction <add>, %mul3A_297, %reduce_sum3A_298 [1] : vector<512x2048xf32> to vector<512xf32>
    %get3A_300 = arith.constant 0 : index
    %get3A_301 = vector.load %arg2[%get3A_300] : memref<2048xf32, #tpu.memory_space<vmem>>, vector<512xf32>
    %add3A_302 = arith.addf %reduce_sum3A_299, %get3A_301 : vector<512xf32>
    %max3A_303 = arith.constant 0.000000e+00 : f32
    %max3A_304 = vector.broadcast %max3A_303 : f32 to vector<512xf32>
    %max3A_305 = arith.maximumf %add3A_302, %max3A_304 : vector<512xf32>
    %broadcast_in_dim3A_306 = vector.shape_cast %max3A_305 : vector<512xf32> to vector<1x512xf32>
    %swap3A_307 = arith.constant 0 : index
    %swap3A_308 = arith.constant 0 : index
    %swap3A_309 = vector.load %arg12[%swap3A_307, %swap3A_308] : memref<1x2048xf32, #tpu.memory_space<vmem>>, vector<1x512xf32>
    tpu.vector_store %arg12[%swap3A_307, %swap3A_308], %broadcast_in_dim3A_306 {strides = array<i32>} : memref<1x2048xf32, #tpu.memory_space<vmem>>, vector<1x512xf32>,
    %dma_start3A_310 = arith.constant 0 : i32
    %dma_start3A_311 = arith.constant 0 : i32
    %dma_start3A_312 = tpu.memref_slice %arg15[%dma_start3A_311] : memref<4x!tpu.dma_semaphore, #tpu.memory_space<semaphore_mem>> -> memref<1x!tpu.dma_semaphore, #tpu.memory_space<semaphore_mem>>
    %dma_start3A_313 = tpu.memref_squeeze %dma_start3A_312 : memref<1x!tpu.dma_semaphore, #tpu.memory_space<semaphore_mem>> -> memref<!tpu.dma_semaphore, #tpu.memory_space<semaphore_mem>>
    %dma_start3A_314 = arith.constant 0 : i32
    %dma_start3A_315 = arith.constant 0 : i32
    %dma_start3A_316 = tpu.memref_slice %arg8[%dma_start3A_314, %dma_start3A_315] : memref<2048x2048xf32, #tpu.memory_space<any>> -> memref<512x2048xf32, #tpu.memory_space<any>>
    %dma_start3A_317 = arith.constant 0 : i32
    %dma_start3A_318 = arith.constant 0 : i32
    %dma_start3A_319 = tpu.memref_slice %arg13[%dma_start3A_310, %dma_start3A_317, %dma_start3A_318] : memref<4x512x2048xf32, #tpu.memory_space<vmem>> -> memref<1x512x2048xf32, #tpu.memory_space<vmem>>
    %dma_start3A_320 = tpu.memref_squeeze %dma_start3A_319 : memref<1x512x2048xf32, #tpu.memory_space<vmem>> -> memref<512x2048xf32, #tpu.memory_space<vmem>>
    tpu.enqueue_dma source(%dma_start3A_320 : memref<512x2048xf32, #tpu.memory_space<vmem>>) target(%dma_start3A_316 : memref<512x2048xf32, #tpu.memory_space<any>>) target_semaphore(%dma_start3A_313 : memref<!tpu.dma_semaphore, #tpu.memory_space<semaphore_mem>>)
    %dma_wait3A_321 = arith.constant 3 : i32
    %dma_wait3A_322 = arith.constant 3 : i32
    %dma_wait3A_323 = tpu.memref_slice %arg15[%dma_wait3A_322] : memref<4x!tpu.dma_semaphore, #tpu.memory_space<semaphore_mem>> -> memref<1x!tpu.dma_semaphore, #tpu.memory_space<semaphore_mem>>
    %dma_wait3A_324 = tpu.memref_squeeze %dma_wait3A_323 : memref<1x!tpu.dma_semaphore, #tpu.memory_space<semaphore_mem>> -> memref<!tpu.dma_semaphore, #tpu.memory_space<semaphore_mem>>
    %dma_wait3A_325 = arith.constant 1536 : i32
    %dma_wait3A_326 = arith.constant 0 : i32
    %dma_wait3A_327 = tpu.memref_slice %arg7[%dma_wait3A_325, %dma_wait3A_326] : memref<2048x2048xf32, #tpu.memory_space<any>> -> memref<512x2048xf32, #tpu.memory_space<any>>
    %dma_wait3A_328 = arith.constant 0 : i32
    %dma_wait3A_329 = arith.constant 0 : i32
    %dma_wait3A_330 = tpu.memref_slice %arg13[%dma_wait3A_321, %dma_wait3A_328, %dma_wait3A_329] : memref<4x512x2048xf32, #tpu.memory_space<vmem>> -> memref<1x512x2048xf32, #tpu.memory_space<vmem>>
    %dma_wait3A_331 = tpu.memref_squeeze %dma_wait3A_330 : memref<1x512x2048xf32, #tpu.memory_space<vmem>> -> memref<512x2048xf32, #tpu.memory_space<vmem>>
    tpu.wait_dma2 semaphore(%dma_wait3A_324 : memref<!tpu.dma_semaphore, #tpu.memory_space<semaphore_mem>>) src(%dma_wait3A_331 : memref<512x2048xf32, #tpu.memory_space<vmem>>) dst(%dma_wait3A_327 : memref<512x2048xf32, #tpu.memory_space<any>>)
    %dma_start3A_332 = arith.constant 3 : i32
    %dma_start3A_333 = arith.constant 3 : i32
    %dma_start3A_334 = tpu.memref_slice %arg14[%dma_start3A_333] : memref<4x!tpu.dma_semaphore, #tpu.memory_space<semaphore_mem>> -> memref<1x!tpu.dma_semaphore, #tpu.memory_space<semaphore_mem>>
    %dma_start3A_335 = tpu.memref_squeeze %dma_start3A_334 : memref<1x!tpu.dma_semaphore, #tpu.memory_space<semaphore_mem>> -> memref<!tpu.dma_semaphore, #tpu.memory_space<semaphore_mem>>
    %dma_start3A_336 = arith.constant 0 : i32
    %dma_start3A_337 = arith.constant 0 : i32
    %dma_start3A_338 = tpu.memref_slice %arg13[%dma_start3A_332, %dma_start3A_336, %dma_start3A_337] : memref<4x512x2048xf32, #tpu.memory_space<vmem>> -> memref<1x512x2048xf32, #tpu.memory_space<vmem>>
    %dma_start3A_339 = tpu.memref_squeeze %dma_start3A_338 : memref<1x512x2048xf32, #tpu.memory_space<vmem>> -> memref<512x2048xf32, #tpu.memory_space<vmem>>
    %dma_start3A_340 = arith.constant 1536 : i32
    %dma_start3A_341 = arith.constant 0 : i32
    %dma_start3A_342 = tpu.memref_slice %arg5[%dma_start3A_340, %dma_start3A_341] : memref<2048x2048xf32, #tpu.memory_space<any>> -> memref<512x2048xf32, #tpu.memory_space<any>>
    tpu.enqueue_dma source(%dma_start3A_342 : memref<512x2048xf32, #tpu.memory_space<any>>) target(%dma_start3A_339 : memref<512x2048xf32, #tpu.memory_space<vmem>>) target_semaphore(%dma_start3A_335 : memref<!tpu.dma_semaphore, #tpu.memory_space<semaphore_mem>>)
    %dma_wait3A_343 = arith.constant 1 : i32
    %dma_wait3A_344 = arith.constant 1 : i32
    %dma_wait3A_345 = tpu.memref_slice %arg14[%dma_wait3A_344] : memref<4x!tpu.dma_semaphore, #tpu.memory_space<semaphore_mem>> -> memref<1x!tpu.dma_semaphore, #tpu.memory_space<semaphore_mem>>
    %dma_wait3A_346 = tpu.memref_squeeze %dma_wait3A_345 : memref<1x!tpu.dma_semaphore, #tpu.memory_space<semaphore_mem>> -> memref<!tpu.dma_semaphore, #tpu.memory_space<semaphore_mem>>
    %dma_wait3A_347 = arith.constant 0 : i32
    %dma_wait3A_348 = arith.constant 0 : i32
    %dma_wait3A_349 = tpu.memref_slice %arg13[%dma_wait3A_343, %dma_wait3A_347, %dma_wait3A_348] : memref<4x512x2048xf32, #tpu.memory_space<vmem>> -> memref<1x512x2048xf32, #tpu.memory_space<vmem>>
    %dma_wait3A_350 = tpu.memref_squeeze %dma_wait3A_349 : memref<1x512x2048xf32, #tpu.memory_space<vmem>> -> memref<512x2048xf32, #tpu.memory_space<vmem>>
    %dma_wait3A_351 = arith.constant 512 : i32
    %dma_wait3A_352 = arith.constant 0 : i32
    %dma_wait3A_353 = tpu.memref_slice %arg5[%dma_wait3A_351, %dma_wait3A_352] : memref<2048x2048xf32, #tpu.memory_space<any>> -> memref<512x2048xf32, #tpu.memory_space<any>>
    tpu.wait_dma2 semaphore(%dma_wait3A_346 : memref<!tpu.dma_semaphore, #tpu.memory_space<semaphore_mem>>) src(%dma_wait3A_353 : memref<512x2048xf32, #tpu.memory_space<any>>) dst(%dma_wait3A_350 : memref<512x2048xf32, #tpu.memory_space<vmem>>)
    %get3A_354 = arith.constant 0 : index
    %get3A_355 = arith.constant 0 : index
    %get3A_356 = vector.load %arg11[%get3A_354, %get3A_355] : memref<1x2048xf32, #tpu.memory_space<vmem>>, vector<1x2048xf32>
    %get3A_357 = arith.constant 1 : index
    %get3A_358 = arith.constant 0 : index
    %get3A_359 = arith.constant 0 : index
    %get3A_360 = vector.load %arg13[%get3A_357, %get3A_358, %get3A_359] : memref<4x512x2048xf32, #tpu.memory_space<vmem>>, vector<1x512x2048xf32>
    %get3A_361 = vector.shape_cast %get3A_360 : vector<1x512x2048xf32> to vector<512x2048xf32>
    %mul3A_362 = vector.broadcast %get3A_356 : vector<1x2048xf32> to vector<512x2048xf32>
    %mul3A_363 = arith.mulf %get3A_361, %mul3A_362 : vector<512x2048xf32>
    %reduce_sum3A_364 = arith.constant dense<0.000000e+00> : vector<512xf32>
    %reduce_sum3A_365 = vector.multi_reduction <add>, %mul3A_363, %reduce_sum3A_364 [1] : vector<512x2048xf32> to vector<512xf32>
    %get3A_366 = arith.constant 512 : index
    %get3A_367 = vector.load %arg2[%get3A_366] : memref<2048xf32, #tpu.memory_space<vmem>>, vector<512xf32>
    %add3A_368 = arith.addf %reduce_sum3A_365, %get3A_367 : vector<512xf32>
    %max3A_369 = arith.constant 0.000000e+00 : f32
    %max3A_370 = vector.broadcast %max3A_369 : f32 to vector<512xf32>
    %max3A_371 = arith.maximumf %add3A_368, %max3A_370 : vector<512xf32>
    %broadcast_in_dim3A_372 = vector.shape_cast %max3A_371 : vector<512xf32> to vector<1x512xf32>
    %swap3A_373 = arith.constant 0 : index
    %swap3A_374 = arith.constant 512 : index
    %swap3A_375 = vector.load %arg12[%swap3A_373, %swap3A_374] : memref<1x2048xf32, #tpu.memory_space<vmem>>, vector<1x512xf32>
    tpu.vector_store %arg12[%swap3A_373, %swap3A_374], %broadcast_in_dim3A_372 {strides = array<i32>} : memref<1x2048xf32, #tpu.memory_space<vmem>>, vector<1x512xf32>,
    %dma_start3A_376 = arith.constant 1 : i32
    %dma_start3A_377 = arith.constant 1 : i32
    %dma_start3A_378 = tpu.memref_slice %arg15[%dma_start3A_377] : memref<4x!tpu.dma_semaphore, #tpu.memory_space<semaphore_mem>> -> memref<1x!tpu.dma_semaphore, #tpu.memory_space<semaphore_mem>>
    %dma_start3A_379 = tpu.memref_squeeze %dma_start3A_378 : memref<1x!tpu.dma_semaphore, #tpu.memory_space<semaphore_mem>> -> memref<!tpu.dma_semaphore, #tpu.memory_space<semaphore_mem>>
    %dma_start3A_380 = arith.constant 512 : i32
    %dma_start3A_381 = arith.constant 0 : i32
    %dma_start3A_382 = tpu.memref_slice %arg8[%dma_start3A_380, %dma_start3A_381] : memref<2048x2048xf32, #tpu.memory_space<any>> -> memref<512x2048xf32, #tpu.memory_space<any>>
    %dma_start3A_383 = arith.constant 0 : i32
    %dma_start3A_384 = arith.constant 0 : i32
    %dma_start3A_385 = tpu.memref_slice %arg13[%dma_start3A_376, %dma_start3A_383, %dma_start3A_384] : memref<4x512x2048xf32, #tpu.memory_space<vmem>> -> memref<1x512x2048xf32, #tpu.memory_space<vmem>>
    %dma_start3A_386 = tpu.memref_squeeze %dma_start3A_385 : memref<1x512x2048xf32, #tpu.memory_space<vmem>> -> memref<512x2048xf32, #tpu.memory_space<vmem>>
    tpu.enqueue_dma source(%dma_start3A_386 : memref<512x2048xf32, #tpu.memory_space<vmem>>) target(%dma_start3A_382 : memref<512x2048xf32, #tpu.memory_space<any>>) target_semaphore(%dma_start3A_379 : memref<!tpu.dma_semaphore, #tpu.memory_space<semaphore_mem>>)
    %dma_wait3A_387 = arith.constant 0 : i32
    %dma_wait3A_388 = arith.constant 0 : i32
    %dma_wait3A_389 = tpu.memref_slice %arg15[%dma_wait3A_388] : memref<4x!tpu.dma_semaphore, #tpu.memory_space<semaphore_mem>> -> memref<1x!tpu.dma_semaphore, #tpu.memory_space<semaphore_mem>>
    %dma_wait3A_390 = tpu.memref_squeeze %dma_wait3A_389 : memref<1x!tpu.dma_semaphore, #tpu.memory_space<semaphore_mem>> -> memref<!tpu.dma_semaphore, #tpu.memory_space<semaphore_mem>>
    %dma_wait3A_391 = arith.constant 0 : i32
    %dma_wait3A_392 = arith.constant 0 : i32
    %dma_wait3A_393 = tpu.memref_slice %arg8[%dma_wait3A_391, %dma_wait3A_392] : memref<2048x2048xf32, #tpu.memory_space<any>> -> memref<512x2048xf32, #tpu.memory_space<any>>
    %dma_wait3A_394 = arith.constant 0 : i32
    %dma_wait3A_395 = arith.constant 0 : i32
    %dma_wait3A_396 = tpu.memref_slice %arg13[%dma_wait3A_387, %dma_wait3A_394, %dma_wait3A_395] : memref<4x512x2048xf32, #tpu.memory_space<vmem>> -> memref<1x512x2048xf32, #tpu.memory_space<vmem>>
    %dma_wait3A_397 = tpu.memref_squeeze %dma_wait3A_396 : memref<1x512x2048xf32, #tpu.memory_space<vmem>> -> memref<512x2048xf32, #tpu.memory_space<vmem>>
    tpu.wait_dma2 semaphore(%dma_wait3A_390 : memref<!tpu.dma_semaphore, #tpu.memory_space<semaphore_mem>>) src(%dma_wait3A_397 : memref<512x2048xf32, #tpu.memory_space<vmem>>) dst(%dma_wait3A_393 : memref<512x2048xf32, #tpu.memory_space<any>>)
    %dma_start3A_398 = arith.constant 0 : i32
    %dma_start3A_399 = arith.constant 0 : i32
    %dma_start3A_400 = tpu.memref_slice %arg14[%dma_start3A_399] : memref<4x!tpu.dma_semaphore, #tpu.memory_space<semaphore_mem>> -> memref<1x!tpu.dma_semaphore, #tpu.memory_space<semaphore_mem>>
    %dma_start3A_401 = tpu.memref_squeeze %dma_start3A_400 : memref<1x!tpu.dma_semaphore, #tpu.memory_space<semaphore_mem>> -> memref<!tpu.dma_semaphore, #tpu.memory_space<semaphore_mem>>
    %dma_start3A_402 = arith.constant 0 : i32
    %dma_start3A_403 = arith.constant 0 : i32
    %dma_start3A_404 = tpu.memref_slice %arg13[%dma_start3A_398, %dma_start3A_402, %dma_start3A_403] : memref<4x512x2048xf32, #tpu.memory_space<vmem>> -> memref<1x512x2048xf32, #tpu.memory_space<vmem>>
    %dma_start3A_405 = tpu.memref_squeeze %dma_start3A_404 : memref<1x512x2048xf32, #tpu.memory_space<vmem>> -> memref<512x2048xf32, #tpu.memory_space<vmem>>
    %dma_start3A_406 = arith.constant 0 : i32
    %dma_start3A_407 = arith.constant 0 : i32
    %dma_start3A_408 = tpu.memref_slice %arg6[%dma_start3A_406, %dma_start3A_407] : memref<2048x2048xf32, #tpu.memory_space<any>> -> memref<512x2048xf32, #tpu.memory_space<any>>
    tpu.enqueue_dma source(%dma_start3A_408 : memref<512x2048xf32, #tpu.memory_space<any>>) target(%dma_start3A_405 : memref<512x2048xf32, #tpu.memory_space<vmem>>) target_semaphore(%dma_start3A_401 : memref<!tpu.dma_semaphore, #tpu.memory_space<semaphore_mem>>)
    %dma_wait3A_409 = arith.constant 2 : i32
    %dma_wait3A_410 = arith.constant 2 : i32
    %dma_wait3A_411 = tpu.memref_slice %arg14[%dma_wait3A_410] : memref<4x!tpu.dma_semaphore, #tpu.memory_space<semaphore_mem>> -> memref<1x!tpu.dma_semaphore, #tpu.memory_space<semaphore_mem>>
    %dma_wait3A_412 = tpu.memref_squeeze %dma_wait3A_411 : memref<1x!tpu.dma_semaphore, #tpu.memory_space<semaphore_mem>> -> memref<!tpu.dma_semaphore, #tpu.memory_space<semaphore_mem>>
    %dma_wait3A_413 = arith.constant 0 : i32
    %dma_wait3A_414 = arith.constant 0 : i32
    %dma_wait3A_415 = tpu.memref_slice %arg13[%dma_wait3A_409, %dma_wait3A_413, %dma_wait3A_414] : memref<4x512x2048xf32, #tpu.memory_space<vmem>> -> memref<1x512x2048xf32, #tpu.memory_space<vmem>>
    %dma_wait3A_416 = tpu.memref_squeeze %dma_wait3A_415 : memref<1x512x2048xf32, #tpu.memory_space<vmem>> -> memref<512x2048xf32, #tpu.memory_space<vmem>>
    %dma_wait3A_417 = arith.constant 1024 : i32
    %dma_wait3A_418 = arith.constant 0 : i32
    %dma_wait3A_419 = tpu.memref_slice %arg5[%dma_wait3A_417, %dma_wait3A_418] : memref<2048x2048xf32, #tpu.memory_space<any>> -> memref<512x2048xf32, #tpu.memory_space<any>>
    tpu.wait_dma2 semaphore(%dma_wait3A_412 : memref<!tpu.dma_semaphore, #tpu.memory_space<semaphore_mem>>) src(%dma_wait3A_419 : memref<512x2048xf32, #tpu.memory_space<any>>) dst(%dma_wait3A_416 : memref<512x2048xf32, #tpu.memory_space<vmem>>)
    %get3A_420 = arith.constant 0 : index
    %get3A_421 = arith.constant 0 : index
    %get3A_422 = vector.load %arg11[%get3A_420, %get3A_421] : memref<1x2048xf32, #tpu.memory_space<vmem>>, vector<1x2048xf32>
    %get3A_423 = arith.constant 2 : index
    %get3A_424 = arith.constant 0 : index
    %get3A_425 = arith.constant 0 : index
    %get3A_426 = vector.load %arg13[%get3A_423, %get3A_424, %get3A_425] : memref<4x512x2048xf32, #tpu.memory_space<vmem>>, vector<1x512x2048xf32>
    %get3A_427 = vector.shape_cast %get3A_426 : vector<1x512x2048xf32> to vector<512x2048xf32>
    %mul3A_428 = vector.broadcast %get3A_422 : vector<1x2048xf32> to vector<512x2048xf32>
    %mul3A_429 = arith.mulf %get3A_427, %mul3A_428 : vector<512x2048xf32>
    %reduce_sum3A_430 = arith.constant dense<0.000000e+00> : vector<512xf32>
    %reduce_sum3A_431 = vector.multi_reduction <add>, %mul3A_429, %reduce_sum3A_430 [1] : vector<512x2048xf32> to vector<512xf32>
    %get3A_432 = arith.constant 1024 : index
    %get3A_433 = vector.load %arg2[%get3A_432] : memref<2048xf32, #tpu.memory_space<vmem>>, vector<512xf32>
    %add3A_434 = arith.addf %reduce_sum3A_431, %get3A_433 : vector<512xf32>
    %max3A_435 = arith.constant 0.000000e+00 : f32
    %max3A_436 = vector.broadcast %max3A_435 : f32 to vector<512xf32>
    %max3A_437 = arith.maximumf %add3A_434, %max3A_436 : vector<512xf32>
    %broadcast_in_dim3A_438 = vector.shape_cast %max3A_437 : vector<512xf32> to vector<1x512xf32>
    %swap3A_439 = arith.constant 0 : index
    %swap3A_440 = arith.constant 1024 : index
    %swap3A_441 = vector.load %arg12[%swap3A_439, %swap3A_440] : memref<1x2048xf32, #tpu.memory_space<vmem>>, vector<1x512xf32>
    tpu.vector_store %arg12[%swap3A_439, %swap3A_440], %broadcast_in_dim3A_438 {strides = array<i32>} : memref<1x2048xf32, #tpu.memory_space<vmem>>, vector<1x512xf32>,
    %dma_start3A_442 = arith.constant 2 : i32
    %dma_start3A_443 = arith.constant 2 : i32
    %dma_start3A_444 = tpu.memref_slice %arg15[%dma_start3A_443] : memref<4x!tpu.dma_semaphore, #tpu.memory_space<semaphore_mem>> -> memref<1x!tpu.dma_semaphore, #tpu.memory_space<semaphore_mem>>
    %dma_start3A_445 = tpu.memref_squeeze %dma_start3A_444 : memref<1x!tpu.dma_semaphore, #tpu.memory_space<semaphore_mem>> -> memref<!tpu.dma_semaphore, #tpu.memory_space<semaphore_mem>>
    %dma_start3A_446 = arith.constant 1024 : i32
    %dma_start3A_447 = arith.constant 0 : i32
    %dma_start3A_448 = tpu.memref_slice %arg8[%dma_start3A_446, %dma_start3A_447] : memref<2048x2048xf32, #tpu.memory_space<any>> -> memref<512x2048xf32, #tpu.memory_space<any>>
    %dma_start3A_449 = arith.constant 0 : i32
    %dma_start3A_450 = arith.constant 0 : i32
    %dma_start3A_451 = tpu.memref_slice %arg13[%dma_start3A_442, %dma_start3A_449, %dma_start3A_450] : memref<4x512x2048xf32, #tpu.memory_space<vmem>> -> memref<1x512x2048xf32, #tpu.memory_space<vmem>>
    %dma_start3A_452 = tpu.memref_squeeze %dma_start3A_451 : memref<1x512x2048xf32, #tpu.memory_space<vmem>> -> memref<512x2048xf32, #tpu.memory_space<vmem>>
    tpu.enqueue_dma source(%dma_start3A_452 : memref<512x2048xf32, #tpu.memory_space<vmem>>) target(%dma_start3A_448 : memref<512x2048xf32, #tpu.memory_space<any>>) target_semaphore(%dma_start3A_445 : memref<!tpu.dma_semaphore, #tpu.memory_space<semaphore_mem>>)
    %dma_wait3A_453 = arith.constant 1 : i32
    %dma_wait3A_454 = arith.constant 1 : i32
    %dma_wait3A_455 = tpu.memref_slice %arg15[%dma_wait3A_454] : memref<4x!tpu.dma_semaphore, #tpu.memory_space<semaphore_mem>> -> memref<1x!tpu.dma_semaphore, #tpu.memory_space<semaphore_mem>>
    %dma_wait3A_456 = tpu.memref_squeeze %dma_wait3A_455 : memref<1x!tpu.dma_semaphore, #tpu.memory_space<semaphore_mem>> -> memref<!tpu.dma_semaphore, #tpu.memory_space<semaphore_mem>>
    %dma_wait3A_457 = arith.constant 512 : i32
    %dma_wait3A_458 = arith.constant 0 : i32
    %dma_wait3A_459 = tpu.memref_slice %arg8[%dma_wait3A_457, %dma_wait3A_458] : memref<2048x2048xf32, #tpu.memory_space<any>> -> memref<512x2048xf32, #tpu.memory_space<any>>
    %dma_wait3A_460 = arith.constant 0 : i32
    %dma_wait3A_461 = arith.constant 0 : i32
    %dma_wait3A_462 = tpu.memref_slice %arg13[%dma_wait3A_453, %dma_wait3A_460, %dma_wait3A_461] : memref<4x512x2048xf32, #tpu.memory_space<vmem>> -> memref<1x512x2048xf32, #tpu.memory_space<vmem>>
    %dma_wait3A_463 = tpu.memref_squeeze %dma_wait3A_462 : memref<1x512x2048xf32, #tpu.memory_space<vmem>> -> memref<512x2048xf32, #tpu.memory_space<vmem>>
    tpu.wait_dma2 semaphore(%dma_wait3A_456 : memref<!tpu.dma_semaphore, #tpu.memory_space<semaphore_mem>>) src(%dma_wait3A_463 : memref<512x2048xf32, #tpu.memory_space<vmem>>) dst(%dma_wait3A_459 : memref<512x2048xf32, #tpu.memory_space<any>>)
    %dma_start3A_464 = arith.constant 1 : i32
    %dma_start3A_465 = arith.constant 1 : i32
    %dma_start3A_466 = tpu.memref_slice %arg14[%dma_start3A_465] : memref<4x!tpu.dma_semaphore, #tpu.memory_space<semaphore_mem>> -> memref<1x!tpu.dma_semaphore, #tpu.memory_space<semaphore_mem>>
    %dma_start3A_467 = tpu.memref_squeeze %dma_start3A_466 : memref<1x!tpu.dma_semaphore, #tpu.memory_space<semaphore_mem>> -> memref<!tpu.dma_semaphore, #tpu.memory_space<semaphore_mem>>
    %dma_start3A_468 = arith.constant 0 : i32
    %dma_start3A_469 = arith.constant 0 : i32
    %dma_start3A_470 = tpu.memref_slice %arg13[%dma_start3A_464, %dma_start3A_468, %dma_start3A_469] : memref<4x512x2048xf32, #tpu.memory_space<vmem>> -> memref<1x512x2048xf32, #tpu.memory_space<vmem>>
    %dma_start3A_471 = tpu.memref_squeeze %dma_start3A_470 : memref<1x512x2048xf32, #tpu.memory_space<vmem>> -> memref<512x2048xf32, #tpu.memory_space<vmem>>
    %dma_start3A_472 = arith.constant 512 : i32
    %dma_start3A_473 = arith.constant 0 : i32
    %dma_start3A_474 = tpu.memref_slice %arg6[%dma_start3A_472, %dma_start3A_473] : memref<2048x2048xf32, #tpu.memory_space<any>> -> memref<512x2048xf32, #tpu.memory_space<any>>
    tpu.enqueue_dma source(%dma_start3A_474 : memref<512x2048xf32, #tpu.memory_space<any>>) target(%dma_start3A_471 : memref<512x2048xf32, #tpu.memory_space<vmem>>) target_semaphore(%dma_start3A_467 : memref<!tpu.dma_semaphore, #tpu.memory_space<semaphore_mem>>)
    %dma_wait3A_475 = arith.constant 3 : i32
    %dma_wait3A_476 = arith.constant 3 : i32
    %dma_wait3A_477 = tpu.memref_slice %arg14[%dma_wait3A_476] : memref<4x!tpu.dma_semaphore, #tpu.memory_space<semaphore_mem>> -> memref<1x!tpu.dma_semaphore, #tpu.memory_space<semaphore_mem>>
    %dma_wait3A_478 = tpu.memref_squeeze %dma_wait3A_477 : memref<1x!tpu.dma_semaphore, #tpu.memory_space<semaphore_mem>> -> memref<!tpu.dma_semaphore, #tpu.memory_space<semaphore_mem>>
    %dma_wait3A_479 = arith.constant 0 : i32
    %dma_wait3A_480 = arith.constant 0 : i32
    %dma_wait3A_481 = tpu.memref_slice %arg13[%dma_wait3A_475, %dma_wait3A_479, %dma_wait3A_480] : memref<4x512x2048xf32, #tpu.memory_space<vmem>> -> memref<1x512x2048xf32, #tpu.memory_space<vmem>>
    %dma_wait3A_482 = tpu.memref_squeeze %dma_wait3A_481 : memref<1x512x2048xf32, #tpu.memory_space<vmem>> -> memref<512x2048xf32, #tpu.memory_space<vmem>>
    %dma_wait3A_483 = arith.constant 1536 : i32
    %dma_wait3A_484 = arith.constant 0 : i32
    %dma_wait3A_485 = tpu.memref_slice %arg5[%dma_wait3A_483, %dma_wait3A_484] : memref<2048x2048xf32, #tpu.memory_space<any>> -> memref<512x2048xf32, #tpu.memory_space<any>>
    tpu.wait_dma2 semaphore(%dma_wait3A_478 : memref<!tpu.dma_semaphore, #tpu.memory_space<semaphore_mem>>) src(%dma_wait3A_485 : memref<512x2048xf32, #tpu.memory_space<any>>) dst(%dma_wait3A_482 : memref<512x2048xf32, #tpu.memory_space<vmem>>)
    %get3A_486 = arith.constant 0 : index
    %get3A_487 = arith.constant 0 : index
    %get3A_488 = vector.load %arg11[%get3A_486, %get3A_487] : memref<1x2048xf32, #tpu.memory_space<vmem>>, vector<1x2048xf32>
    %get3A_489 = arith.constant 3 : index
    %get3A_490 = arith.constant 0 : index
    %get3A_491 = arith.constant 0 : index
    %get3A_492 = vector.load %arg13[%get3A_489, %get3A_490, %get3A_491] : memref<4x512x2048xf32, #tpu.memory_space<vmem>>, vector<1x512x2048xf32>
    %get3A_493 = vector.shape_cast %get3A_492 : vector<1x512x2048xf32> to vector<512x2048xf32>
    %mul3A_494 = vector.broadcast %get3A_488 : vector<1x2048xf32> to vector<512x2048xf32>
    %mul3A_495 = arith.mulf %get3A_493, %mul3A_494 : vector<512x2048xf32>
    %reduce_sum3A_496 = arith.constant dense<0.000000e+00> : vector<512xf32>
    %reduce_sum3A_497 = vector.multi_reduction <add>, %mul3A_495, %reduce_sum3A_496 [1] : vector<512x2048xf32> to vector<512xf32>
    %get3A_498 = arith.constant 1536 : index
    %get3A_499 = vector.load %arg2[%get3A_498] : memref<2048xf32, #tpu.memory_space<vmem>>, vector<512xf32>
    %add3A_500 = arith.addf %reduce_sum3A_497, %get3A_499 : vector<512xf32>
    %max3A_501 = arith.constant 0.000000e+00 : f32
    %max3A_502 = vector.broadcast %max3A_501 : f32 to vector<512xf32>
    %max3A_503 = arith.maximumf %add3A_500, %max3A_502 : vector<512xf32>
    %broadcast_in_dim3A_504 = vector.shape_cast %max3A_503 : vector<512xf32> to vector<1x512xf32>
    %swap3A_505 = arith.constant 0 : index
    %swap3A_506 = arith.constant 1536 : index
    %swap3A_507 = vector.load %arg12[%swap3A_505, %swap3A_506] : memref<1x2048xf32, #tpu.memory_space<vmem>>, vector<1x512xf32>
    tpu.vector_store %arg12[%swap3A_505, %swap3A_506], %broadcast_in_dim3A_504 {strides = array<i32>} : memref<1x2048xf32, #tpu.memory_space<vmem>>, vector<1x512xf32>,
    %dma_start3A_508 = arith.constant 3 : i32
    %dma_start3A_509 = arith.constant 3 : i32
    %dma_start3A_510 = tpu.memref_slice %arg15[%dma_start3A_509] : memref<4x!tpu.dma_semaphore, #tpu.memory_space<semaphore_mem>> -> memref<1x!tpu.dma_semaphore, #tpu.memory_space<semaphore_mem>>
    %dma_start3A_511 = tpu.memref_squeeze %dma_start3A_510 : memref<1x!tpu.dma_semaphore, #tpu.memory_space<semaphore_mem>> -> memref<!tpu.dma_semaphore, #tpu.memory_space<semaphore_mem>>
    %dma_start3A_512 = arith.constant 1536 : i32
    %dma_start3A_513 = arith.constant 0 : i32
    %dma_start3A_514 = tpu.memref_slice %arg8[%dma_start3A_512, %dma_start3A_513] : memref<2048x2048xf32, #tpu.memory_space<any>> -> memref<512x2048xf32, #tpu.memory_space<any>>
    %dma_start3A_515 = arith.constant 0 : i32
    %dma_start3A_516 = arith.constant 0 : i32
    %dma_start3A_517 = tpu.memref_slice %arg13[%dma_start3A_508, %dma_start3A_515, %dma_start3A_516] : memref<4x512x2048xf32, #tpu.memory_space<vmem>> -> memref<1x512x2048xf32, #tpu.memory_space<vmem>>
    %dma_start3A_518 = tpu.memref_squeeze %dma_start3A_517 : memref<1x512x2048xf32, #tpu.memory_space<vmem>> -> memref<512x2048xf32, #tpu.memory_space<vmem>>
    tpu.enqueue_dma source(%dma_start3A_518 : memref<512x2048xf32, #tpu.memory_space<vmem>>) target(%dma_start3A_514 : memref<512x2048xf32, #tpu.memory_space<any>>) target_semaphore(%dma_start3A_511 : memref<!tpu.dma_semaphore, #tpu.memory_space<semaphore_mem>>)
    %dma_wait3A_519 = arith.constant 2 : i32
    %dma_wait3A_520 = arith.constant 2 : i32
    %dma_wait3A_521 = tpu.memref_slice %arg15[%dma_wait3A_520] : memref<4x!tpu.dma_semaphore, #tpu.memory_space<semaphore_mem>> -> memref<1x!tpu.dma_semaphore, #tpu.memory_space<semaphore_mem>>
    %dma_wait3A_522 = tpu.memref_squeeze %dma_wait3A_521 : memref<1x!tpu.dma_semaphore, #tpu.memory_space<semaphore_mem>> -> memref<!tpu.dma_semaphore, #tpu.memory_space<semaphore_mem>>
    %dma_wait3A_523 = arith.constant 1024 : i32
    %dma_wait3A_524 = arith.constant 0 : i32
    %dma_wait3A_525 = tpu.memref_slice %arg8[%dma_wait3A_523, %dma_wait3A_524] : memref<2048x2048xf32, #tpu.memory_space<any>> -> memref<512x2048xf32, #tpu.memory_space<any>>
    %dma_wait3A_526 = arith.constant 0 : i32
    %dma_wait3A_527 = arith.constant 0 : i32
    %dma_wait3A_528 = tpu.memref_slice %arg13[%dma_wait3A_519, %dma_wait3A_526, %dma_wait3A_527] : memref<4x512x2048xf32, #tpu.memory_space<vmem>> -> memref<1x512x2048xf32, #tpu.memory_space<vmem>>
    %dma_wait3A_529 = tpu.memref_squeeze %dma_wait3A_528 : memref<1x512x2048xf32, #tpu.memory_space<vmem>> -> memref<512x2048xf32, #tpu.memory_space<vmem>>
    tpu.wait_dma2 semaphore(%dma_wait3A_522 : memref<!tpu.dma_semaphore, #tpu.memory_space<semaphore_mem>>) src(%dma_wait3A_529 : memref<512x2048xf32, #tpu.memory_space<vmem>>) dst(%dma_wait3A_525 : memref<512x2048xf32, #tpu.memory_space<any>>)
    %dma_start3A_530 = arith.constant 2 : i32
    %dma_start3A_531 = arith.constant 2 : i32
    %dma_start3A_532 = tpu.memref_slice %arg14[%dma_start3A_531] : memref<4x!tpu.dma_semaphore, #tpu.memory_space<semaphore_mem>> -> memref<1x!tpu.dma_semaphore, #tpu.memory_space<semaphore_mem>>
    %dma_start3A_533 = tpu.memref_squeeze %dma_start3A_532 : memref<1x!tpu.dma_semaphore, #tpu.memory_space<semaphore_mem>> -> memref<!tpu.dma_semaphore, #tpu.memory_space<semaphore_mem>>
    %dma_start3A_534 = arith.constant 0 : i32
    %dma_start3A_535 = arith.constant 0 : i32
    %dma_start3A_536 = tpu.memref_slice %arg13[%dma_start3A_530, %dma_start3A_534, %dma_start3A_535] : memref<4x512x2048xf32, #tpu.memory_space<vmem>> -> memref<1x512x2048xf32, #tpu.memory_space<vmem>>
    %dma_start3A_537 = tpu.memref_squeeze %dma_start3A_536 : memref<1x512x2048xf32, #tpu.memory_space<vmem>> -> memref<512x2048xf32, #tpu.memory_space<vmem>>
    %dma_start3A_538 = arith.constant 1024 : i32
    %dma_start3A_539 = arith.constant 0 : i32
    %dma_start3A_540 = tpu.memref_slice %arg6[%dma_start3A_538, %dma_start3A_539] : memref<2048x2048xf32, #tpu.memory_space<any>> -> memref<512x2048xf32, #tpu.memory_space<any>>
    tpu.enqueue_dma source(%dma_start3A_540 : memref<512x2048xf32, #tpu.memory_space<any>>) target(%dma_start3A_537 : memref<512x2048xf32, #tpu.memory_space<vmem>>) target_semaphore(%dma_start3A_533 : memref<!tpu.dma_semaphore, #tpu.memory_space<semaphore_mem>>)
    %dma_wait3A_541 = arith.constant 0 : i32
    %dma_wait3A_542 = arith.constant 0 : i32
    %dma_wait3A_543 = tpu.memref_slice %arg14[%dma_wait3A_542] : memref<4x!tpu.dma_semaphore, #tpu.memory_space<semaphore_mem>> -> memref<1x!tpu.dma_semaphore, #tpu.memory_space<semaphore_mem>>
    %dma_wait3A_544 = tpu.memref_squeeze %dma_wait3A_543 : memref<1x!tpu.dma_semaphore, #tpu.memory_space<semaphore_mem>> -> memref<!tpu.dma_semaphore, #tpu.memory_space<semaphore_mem>>
    %dma_wait3A_545 = arith.constant 0 : i32
    %dma_wait3A_546 = arith.constant 0 : i32
    %dma_wait3A_547 = tpu.memref_slice %arg13[%dma_wait3A_541, %dma_wait3A_545, %dma_wait3A_546] : memref<4x512x2048xf32, #tpu.memory_space<vmem>> -> memref<1x512x2048xf32, #tpu.memory_space<vmem>>
    %dma_wait3A_548 = tpu.memref_squeeze %dma_wait3A_547 : memref<1x512x2048xf32, #tpu.memory_space<vmem>> -> memref<512x2048xf32, #tpu.memory_space<vmem>>
    %dma_wait3A_549 = arith.constant 0 : i32
    %dma_wait3A_550 = arith.constant 0 : i32
    %dma_wait3A_551 = tpu.memref_slice %arg6[%dma_wait3A_549, %dma_wait3A_550] : memref<2048x2048xf32, #tpu.memory_space<any>> -> memref<512x2048xf32, #tpu.memory_space<any>>
    tpu.wait_dma2 semaphore(%dma_wait3A_544 : memref<!tpu.dma_semaphore, #tpu.memory_space<semaphore_mem>>) src(%dma_wait3A_551 : memref<512x2048xf32, #tpu.memory_space<any>>) dst(%dma_wait3A_548 : memref<512x2048xf32, #tpu.memory_space<vmem>>)
    %get3A_552 = arith.constant 0 : index
    %get3A_553 = arith.constant 0 : index
    %get3A_554 = vector.load %arg12[%get3A_552, %get3A_553] : memref<1x2048xf32, #tpu.memory_space<vmem>>, vector<1x2048xf32>
    %get3A_555 = arith.constant 0 : index
    %get3A_556 = arith.constant 0 : index
    %get3A_557 = arith.constant 0 : index
    %get3A_558 = vector.load %arg13[%get3A_555, %get3A_556, %get3A_557] : memref<4x512x2048xf32, #tpu.memory_space<vmem>>, vector<1x512x2048xf32>
    %get3A_559 = vector.shape_cast %get3A_558 : vector<1x512x2048xf32> to vector<512x2048xf32>
    %mul3A_560 = vector.broadcast %get3A_554 : vector<1x2048xf32> to vector<512x2048xf32>
    %mul3A_561 = arith.mulf %get3A_559, %mul3A_560 : vector<512x2048xf32>
    %reduce_sum3A_562 = arith.constant dense<0.000000e+00> : vector<512xf32>
    %reduce_sum3A_563 = vector.multi_reduction <add>, %mul3A_561, %reduce_sum3A_562 [1] : vector<512x2048xf32> to vector<512xf32>
    %get3A_564 = arith.constant 0 : index
    %get3A_565 = vector.load %arg3[%get3A_564] : memref<2048xf32, #tpu.memory_space<vmem>>, vector<512xf32>
    %add3A_566 = arith.addf %reduce_sum3A_563, %get3A_565 : vector<512xf32>
    %max3A_567 = arith.constant 0.000000e+00 : f32
    %max3A_568 = vector.broadcast %max3A_567 : f32 to vector<512xf32>
    %max3A_569 = arith.maximumf %add3A_566, %max3A_568 : vector<512xf32>
    %broadcast_in_dim3A_570 = vector.shape_cast %max3A_569 : vector<512xf32> to vector<1x512xf32>
    %swap3A_571 = arith.constant 0 : index
    %swap3A_572 = arith.constant 0 : index
    %swap3A_573 = vector.load %arg10[%swap3A_571, %swap3A_572] : memref<1x2048xf32, #tpu.memory_space<vmem>>, vector<1x512xf32>
    tpu.vector_store %arg10[%swap3A_571, %swap3A_572], %broadcast_in_dim3A_570 {strides = array<i32>} : memref<1x2048xf32, #tpu.memory_space<vmem>>, vector<1x512xf32>,
    %dma_start3A_574 = arith.constant 0 : i32
    %dma_start3A_575 = arith.constant 0 : i32
    %dma_start3A_576 = tpu.memref_slice %arg15[%dma_start3A_575] : memref<4x!tpu.dma_semaphore, #tpu.memory_space<semaphore_mem>> -> memref<1x!tpu.dma_semaphore, #tpu.memory_space<semaphore_mem>>
    %dma_start3A_577 = tpu.memref_squeeze %dma_start3A_576 : memref<1x!tpu.dma_semaphore, #tpu.memory_space<semaphore_mem>> -> memref<!tpu.dma_semaphore, #tpu.memory_space<semaphore_mem>>
    %dma_start3A_578 = arith.constant 0 : i32
    %dma_start3A_579 = arith.constant 0 : i32
    %dma_start3A_580 = tpu.memref_slice %arg9[%dma_start3A_578, %dma_start3A_579] : memref<2048x2048xf32, #tpu.memory_space<any>> -> memref<512x2048xf32, #tpu.memory_space<any>>
    %dma_start3A_581 = arith.constant 0 : i32
    %dma_start3A_582 = arith.constant 0 : i32
    %dma_start3A_583 = tpu.memref_slice %arg13[%dma_start3A_574, %dma_start3A_581, %dma_start3A_582] : memref<4x512x2048xf32, #tpu.memory_space<vmem>> -> memref<1x512x2048xf32, #tpu.memory_space<vmem>>
    %dma_start3A_584 = tpu.memref_squeeze %dma_start3A_583 : memref<1x512x2048xf32, #tpu.memory_space<vmem>> -> memref<512x2048xf32, #tpu.memory_space<vmem>>
    tpu.enqueue_dma source(%dma_start3A_584 : memref<512x2048xf32, #tpu.memory_space<vmem>>) target(%dma_start3A_580 : memref<512x2048xf32, #tpu.memory_space<any>>) target_semaphore(%dma_start3A_577 : memref<!tpu.dma_semaphore, #tpu.memory_space<semaphore_mem>>)
    %dma_wait3A_585 = arith.constant 3 : i32
    %dma_wait3A_586 = arith.constant 3 : i32
    %dma_wait3A_587 = tpu.memref_slice %arg15[%dma_wait3A_586] : memref<4x!tpu.dma_semaphore, #tpu.memory_space<semaphore_mem>> -> memref<1x!tpu.dma_semaphore, #tpu.memory_space<semaphore_mem>>
    %dma_wait3A_588 = tpu.memref_squeeze %dma_wait3A_587 : memref<1x!tpu.dma_semaphore, #tpu.memory_space<semaphore_mem>> -> memref<!tpu.dma_semaphore, #tpu.memory_space<semaphore_mem>>
    %dma_wait3A_589 = arith.constant 1536 : i32
    %dma_wait3A_590 = arith.constant 0 : i32
    %dma_wait3A_591 = tpu.memref_slice %arg8[%dma_wait3A_589, %dma_wait3A_590] : memref<2048x2048xf32, #tpu.memory_space<any>> -> memref<512x2048xf32, #tpu.memory_space<any>>
    %dma_wait3A_592 = arith.constant 0 : i32
    %dma_wait3A_593 = arith.constant 0 : i32
    %dma_wait3A_594 = tpu.memref_slice %arg13[%dma_wait3A_585, %dma_wait3A_592, %dma_wait3A_593] : memref<4x512x2048xf32, #tpu.memory_space<vmem>> -> memref<1x512x2048xf32, #tpu.memory_space<vmem>>
    %dma_wait3A_595 = tpu.memref_squeeze %dma_wait3A_594 : memref<1x512x2048xf32, #tpu.memory_space<vmem>> -> memref<512x2048xf32, #tpu.memory_space<vmem>>
    tpu.wait_dma2 semaphore(%dma_wait3A_588 : memref<!tpu.dma_semaphore, #tpu.memory_space<semaphore_mem>>) src(%dma_wait3A_595 : memref<512x2048xf32, #tpu.memory_space<vmem>>) dst(%dma_wait3A_591 : memref<512x2048xf32, #tpu.memory_space<any>>)
    %dma_start3A_596 = arith.constant 3 : i32
    %dma_start3A_597 = arith.constant 3 : i32
    %dma_start3A_598 = tpu.memref_slice %arg14[%dma_start3A_597] : memref<4x!tpu.dma_semaphore, #tpu.memory_space<semaphore_mem>> -> memref<1x!tpu.dma_semaphore, #tpu.memory_space<semaphore_mem>>
    %dma_start3A_599 = tpu.memref_squeeze %dma_start3A_598 : memref<1x!tpu.dma_semaphore, #tpu.memory_space<semaphore_mem>> -> memref<!tpu.dma_semaphore, #tpu.memory_space<semaphore_mem>>
    %dma_start3A_600 = arith.constant 0 : i32
    %dma_start3A_601 = arith.constant 0 : i32
    %dma_start3A_602 = tpu.memref_slice %arg13[%dma_start3A_596, %dma_start3A_600, %dma_start3A_601] : memref<4x512x2048xf32, #tpu.memory_space<vmem>> -> memref<1x512x2048xf32, #tpu.memory_space<vmem>>
    %dma_start3A_603 = tpu.memref_squeeze %dma_start3A_602 : memref<1x512x2048xf32, #tpu.memory_space<vmem>> -> memref<512x2048xf32, #tpu.memory_space<vmem>>
    %dma_start3A_604 = arith.constant 1536 : i32
    %dma_start3A_605 = arith.constant 0 : i32
    %dma_start3A_606 = tpu.memref_slice %arg6[%dma_start3A_604, %dma_start3A_605] : memref<2048x2048xf32, #tpu.memory_space<any>> -> memref<512x2048xf32, #tpu.memory_space<any>>
    tpu.enqueue_dma source(%dma_start3A_606 : memref<512x2048xf32, #tpu.memory_space<any>>) target(%dma_start3A_603 : memref<512x2048xf32, #tpu.memory_space<vmem>>) target_semaphore(%dma_start3A_599 : memref<!tpu.dma_semaphore, #tpu.memory_space<semaphore_mem>>)
    %dma_wait3A_607 = arith.constant 1 : i32
    %dma_wait3A_608 = arith.constant 1 : i32
    %dma_wait3A_609 = tpu.memref_slice %arg14[%dma_wait3A_608] : memref<4x!tpu.dma_semaphore, #tpu.memory_space<semaphore_mem>> -> memref<1x!tpu.dma_semaphore, #tpu.memory_space<semaphore_mem>>
    %dma_wait3A_610 = tpu.memref_squeeze %dma_wait3A_609 : memref<1x!tpu.dma_semaphore, #tpu.memory_space<semaphore_mem>> -> memref<!tpu.dma_semaphore, #tpu.memory_space<semaphore_mem>>
    %dma_wait3A_611 = arith.constant 0 : i32
    %dma_wait3A_612 = arith.constant 0 : i32
    %dma_wait3A_613 = tpu.memref_slice %arg13[%dma_wait3A_607, %dma_wait3A_611, %dma_wait3A_612] : memref<4x512x2048xf32, #tpu.memory_space<vmem>> -> memref<1x512x2048xf32, #tpu.memory_space<vmem>>
    %dma_wait3A_614 = tpu.memref_squeeze %dma_wait3A_613 : memref<1x512x2048xf32, #tpu.memory_space<vmem>> -> memref<512x2048xf32, #tpu.memory_space<vmem>>
    %dma_wait3A_615 = arith.constant 512 : i32
    %dma_wait3A_616 = arith.constant 0 : i32
    %dma_wait3A_617 = tpu.memref_slice %arg6[%dma_wait3A_615, %dma_wait3A_616] : memref<2048x2048xf32, #tpu.memory_space<any>> -> memref<512x2048xf32, #tpu.memory_space<any>>
    tpu.wait_dma2 semaphore(%dma_wait3A_610 : memref<!tpu.dma_semaphore, #tpu.memory_space<semaphore_mem>>) src(%dma_wait3A_617 : memref<512x2048xf32, #tpu.memory_space<any>>) dst(%dma_wait3A_614 : memref<512x2048xf32, #tpu.memory_space<vmem>>)
    %get3A_618 = arith.constant 0 : index
    %get3A_619 = arith.constant 0 : index
    %get3A_620 = vector.load %arg12[%get3A_618, %get3A_619] : memref<1x2048xf32, #tpu.memory_space<vmem>>, vector<1x2048xf32>
    %get3A_621 = arith.constant 1 : index
    %get3A_622 = arith.constant 0 : index
    %get3A_623 = arith.constant 0 : index
    %get3A_624 = vector.load %arg13[%get3A_621, %get3A_622, %get3A_623] : memref<4x512x2048xf32, #tpu.memory_space<vmem>>, vector<1x512x2048xf32>
    %get3A_625 = vector.shape_cast %get3A_624 : vector<1x512x2048xf32> to vector<512x2048xf32>
    %mul3A_626 = vector.broadcast %get3A_620 : vector<1x2048xf32> to vector<512x2048xf32>
    %mul3A_627 = arith.mulf %get3A_625, %mul3A_626 : vector<512x2048xf32>
    %reduce_sum3A_628 = arith.constant dense<0.000000e+00> : vector<512xf32>
    %reduce_sum3A_629 = vector.multi_reduction <add>, %mul3A_627, %reduce_sum3A_628 [1] : vector<512x2048xf32> to vector<512xf32>
    %get3A_630 = arith.constant 512 : index
    %get3A_631 = vector.load %arg3[%get3A_630] : memref<2048xf32, #tpu.memory_space<vmem>>, vector<512xf32>
    %add3A_632 = arith.addf %reduce_sum3A_629, %get3A_631 : vector<512xf32>
    %max3A_633 = arith.constant 0.000000e+00 : f32
    %max3A_634 = vector.broadcast %max3A_633 : f32 to vector<512xf32>
    %max3A_635 = arith.maximumf %add3A_632, %max3A_634 : vector<512xf32>
    %broadcast_in_dim3A_636 = vector.shape_cast %max3A_635 : vector<512xf32> to vector<1x512xf32>
    %swap3A_637 = arith.constant 0 : index
    %swap3A_638 = arith.constant 512 : index
    %swap3A_639 = vector.load %arg10[%swap3A_637, %swap3A_638] : memref<1x2048xf32, #tpu.memory_space<vmem>>, vector<1x512xf32>
    tpu.vector_store %arg10[%swap3A_637, %swap3A_638], %broadcast_in_dim3A_636 {strides = array<i32>} : memref<1x2048xf32, #tpu.memory_space<vmem>>, vector<1x512xf32>,
    %dma_start3A_640 = arith.constant 1 : i32
    %dma_start3A_641 = arith.constant 1 : i32
    %dma_start3A_642 = tpu.memref_slice %arg15[%dma_start3A_641] : memref<4x!tpu.dma_semaphore, #tpu.memory_space<semaphore_mem>> -> memref<1x!tpu.dma_semaphore, #tpu.memory_space<semaphore_mem>>
    %dma_start3A_643 = tpu.memref_squeeze %dma_start3A_642 : memref<1x!tpu.dma_semaphore, #tpu.memory_space<semaphore_mem>> -> memref<!tpu.dma_semaphore, #tpu.memory_space<semaphore_mem>>
    %dma_start3A_644 = arith.constant 512 : i32
    %dma_start3A_645 = arith.constant 0 : i32
    %dma_start3A_646 = tpu.memref_slice %arg9[%dma_start3A_644, %dma_start3A_645] : memref<2048x2048xf32, #tpu.memory_space<any>> -> memref<512x2048xf32, #tpu.memory_space<any>>
    %dma_start3A_647 = arith.constant 0 : i32
    %dma_start3A_648 = arith.constant 0 : i32
    %dma_start3A_649 = tpu.memref_slice %arg13[%dma_start3A_640, %dma_start3A_647, %dma_start3A_648] : memref<4x512x2048xf32, #tpu.memory_space<vmem>> -> memref<1x512x2048xf32, #tpu.memory_space<vmem>>
    %dma_start3A_650 = tpu.memref_squeeze %dma_start3A_649 : memref<1x512x2048xf32, #tpu.memory_space<vmem>> -> memref<512x2048xf32, #tpu.memory_space<vmem>>
    tpu.enqueue_dma source(%dma_start3A_650 : memref<512x2048xf32, #tpu.memory_space<vmem>>) target(%dma_start3A_646 : memref<512x2048xf32, #tpu.memory_space<any>>) target_semaphore(%dma_start3A_643 : memref<!tpu.dma_semaphore, #tpu.memory_space<semaphore_mem>>)
    %dma_wait3A_651 = arith.constant 2 : i32
    %dma_wait3A_652 = arith.constant 2 : i32
    %dma_wait3A_653 = tpu.memref_slice %arg14[%dma_wait3A_652] : memref<4x!tpu.dma_semaphore, #tpu.memory_space<semaphore_mem>> -> memref<1x!tpu.dma_semaphore, #tpu.memory_space<semaphore_mem>>
    %dma_wait3A_654 = tpu.memref_squeeze %dma_wait3A_653 : memref<1x!tpu.dma_semaphore, #tpu.memory_space<semaphore_mem>> -> memref<!tpu.dma_semaphore, #tpu.memory_space<semaphore_mem>>
    %dma_wait3A_655 = arith.constant 0 : i32
    %dma_wait3A_656 = arith.constant 0 : i32
    %dma_wait3A_657 = tpu.memref_slice %arg13[%dma_wait3A_651, %dma_wait3A_655, %dma_wait3A_656] : memref<4x512x2048xf32, #tpu.memory_space<vmem>> -> memref<1x512x2048xf32, #tpu.memory_space<vmem>>
    %dma_wait3A_658 = tpu.memref_squeeze %dma_wait3A_657 : memref<1x512x2048xf32, #tpu.memory_space<vmem>> -> memref<512x2048xf32, #tpu.memory_space<vmem>>
    %dma_wait3A_659 = arith.constant 1024 : i32
    %dma_wait3A_660 = arith.constant 0 : i32
    %dma_wait3A_661 = tpu.memref_slice %arg6[%dma_wait3A_659, %dma_wait3A_660] : memref<2048x2048xf32, #tpu.memory_space<any>> -> memref<512x2048xf32, #tpu.memory_space<any>>
    tpu.wait_dma2 semaphore(%dma_wait3A_654 : memref<!tpu.dma_semaphore, #tpu.memory_space<semaphore_mem>>) src(%dma_wait3A_661 : memref<512x2048xf32, #tpu.memory_space<any>>) dst(%dma_wait3A_658 : memref<512x2048xf32, #tpu.memory_space<vmem>>)
    %get3A_662 = arith.constant 0 : index
    %get3A_663 = arith.constant 0 : index
    %get3A_664 = vector.load %arg12[%get3A_662, %get3A_663] : memref<1x2048xf32, #tpu.memory_space<vmem>>, vector<1x2048xf32>
    %get3A_665 = arith.constant 2 : index
    %get3A_666 = arith.constant 0 : index
    %get3A_667 = arith.constant 0 : index
    %get3A_668 = vector.load %arg13[%get3A_665, %get3A_666, %get3A_667] : memref<4x512x2048xf32, #tpu.memory_space<vmem>>, vector<1x512x2048xf32>
    %get3A_669 = vector.shape_cast %get3A_668 : vector<1x512x2048xf32> to vector<512x2048xf32>
    %mul3A_670 = vector.broadcast %get3A_664 : vector<1x2048xf32> to vector<512x2048xf32>
    %mul3A_671 = arith.mulf %get3A_669, %mul3A_670 : vector<512x2048xf32>
    %reduce_sum3A_672 = arith.constant dense<0.000000e+00> : vector<512xf32>
    %reduce_sum3A_673 = vector.multi_reduction <add>, %mul3A_671, %reduce_sum3A_672 [1] : vector<512x2048xf32> to vector<512xf32>
    %get3A_674 = arith.constant 1024 : index
    %get3A_675 = vector.load %arg3[%get3A_674] : memref<2048xf32, #tpu.memory_space<vmem>>, vector<512xf32>
    %add3A_676 = arith.addf %reduce_sum3A_673, %get3A_675 : vector<512xf32>
    %max3A_677 = arith.constant 0.000000e+00 : f32
    %max3A_678 = vector.broadcast %max3A_677 : f32 to vector<512xf32>
    %max3A_679 = arith.maximumf %add3A_676, %max3A_678 : vector<512xf32>
    %broadcast_in_dim3A_680 = vector.shape_cast %max3A_679 : vector<512xf32> to vector<1x512xf32>
    %swap3A_681 = arith.constant 0 : index
    %swap3A_682 = arith.constant 1024 : index
    %swap3A_683 = vector.load %arg10[%swap3A_681, %swap3A_682] : memref<1x2048xf32, #tpu.memory_space<vmem>>, vector<1x512xf32>
    tpu.vector_store %arg10[%swap3A_681, %swap3A_682], %broadcast_in_dim3A_680 {strides = array<i32>} : memref<1x2048xf32, #tpu.memory_space<vmem>>, vector<1x512xf32>,
    %dma_start3A_684 = arith.constant 2 : i32
    %dma_start3A_685 = arith.constant 2 : i32
    %dma_start3A_686 = tpu.memref_slice %arg15[%dma_start3A_685] : memref<4x!tpu.dma_semaphore, #tpu.memory_space<semaphore_mem>> -> memref<1x!tpu.dma_semaphore, #tpu.memory_space<semaphore_mem>>
    %dma_start3A_687 = tpu.memref_squeeze %dma_start3A_686 : memref<1x!tpu.dma_semaphore, #tpu.memory_space<semaphore_mem>> -> memref<!tpu.dma_semaphore, #tpu.memory_space<semaphore_mem>>
    %dma_start3A_688 = arith.constant 1024 : i32
    %dma_start3A_689 = arith.constant 0 : i32
    %dma_start3A_690 = tpu.memref_slice %arg9[%dma_start3A_688, %dma_start3A_689] : memref<2048x2048xf32, #tpu.memory_space<any>> -> memref<512x2048xf32, #tpu.memory_space<any>>
    %dma_start3A_691 = arith.constant 0 : i32
    %dma_start3A_692 = arith.constant 0 : i32
    %dma_start3A_693 = tpu.memref_slice %arg13[%dma_start3A_684, %dma_start3A_691, %dma_start3A_692] : memref<4x512x2048xf32, #tpu.memory_space<vmem>> -> memref<1x512x2048xf32, #tpu.memory_space<vmem>>
    %dma_start3A_694 = tpu.memref_squeeze %dma_start3A_693 : memref<1x512x2048xf32, #tpu.memory_space<vmem>> -> memref<512x2048xf32, #tpu.memory_space<vmem>>
    tpu.enqueue_dma source(%dma_start3A_694 : memref<512x2048xf32, #tpu.memory_space<vmem>>) target(%dma_start3A_690 : memref<512x2048xf32, #tpu.memory_space<any>>) target_semaphore(%dma_start3A_687 : memref<!tpu.dma_semaphore, #tpu.memory_space<semaphore_mem>>)
    %dma_wait3A_695 = arith.constant 3 : i32
    %dma_wait3A_696 = arith.constant 3 : i32
    %dma_wait3A_697 = tpu.memref_slice %arg14[%dma_wait3A_696] : memref<4x!tpu.dma_semaphore, #tpu.memory_space<semaphore_mem>> -> memref<1x!tpu.dma_semaphore, #tpu.memory_space<semaphore_mem>>
    %dma_wait3A_698 = tpu.memref_squeeze %dma_wait3A_697 : memref<1x!tpu.dma_semaphore, #tpu.memory_space<semaphore_mem>> -> memref<!tpu.dma_semaphore, #tpu.memory_space<semaphore_mem>>
    %dma_wait3A_699 = arith.constant 0 : i32
    %dma_wait3A_700 = arith.constant 0 : i32
    %dma_wait3A_701 = tpu.memref_slice %arg13[%dma_wait3A_695, %dma_wait3A_699, %dma_wait3A_700] : memref<4x512x2048xf32, #tpu.memory_space<vmem>> -> memref<1x512x2048xf32, #tpu.memory_space<vmem>>
    %dma_wait3A_702 = tpu.memref_squeeze %dma_wait3A_701 : memref<1x512x2048xf32, #tpu.memory_space<vmem>> -> memref<512x2048xf32, #tpu.memory_space<vmem>>
    %dma_wait3A_703 = arith.constant 1536 : i32
    %dma_wait3A_704 = arith.constant 0 : i32
    %dma_wait3A_705 = tpu.memref_slice %arg6[%dma_wait3A_703, %dma_wait3A_704] : memref<2048x2048xf32, #tpu.memory_space<any>> -> memref<512x2048xf32, #tpu.memory_space<any>>
    tpu.wait_dma2 semaphore(%dma_wait3A_698 : memref<!tpu.dma_semaphore, #tpu.memory_space<semaphore_mem>>) src(%dma_wait3A_705 : memref<512x2048xf32, #tpu.memory_space<any>>) dst(%dma_wait3A_702 : memref<512x2048xf32, #tpu.memory_space<vmem>>)
    %get3A_706 = arith.constant 0 : index
    %get3A_707 = arith.constant 0 : index
    %get3A_708 = vector.load %arg12[%get3A_706, %get3A_707] : memref<1x2048xf32, #tpu.memory_space<vmem>>, vector<1x2048xf32>
    %get3A_709 = arith.constant 3 : index
    %get3A_710 = arith.constant 0 : index
    %get3A_711 = arith.constant 0 : index
    %get3A_712 = vector.load %arg13[%get3A_709, %get3A_710, %get3A_711] : memref<4x512x2048xf32, #tpu.memory_space<vmem>>, vector<1x512x2048xf32>
    %get3A_713 = vector.shape_cast %get3A_712 : vector<1x512x2048xf32> to vector<512x2048xf32>
    %mul3A_714 = vector.broadcast %get3A_708 : vector<1x2048xf32> to vector<512x2048xf32>
    %mul3A_715 = arith.mulf %get3A_713, %mul3A_714 : vector<512x2048xf32>
    %reduce_sum3A_716 = arith.constant dense<0.000000e+00> : vector<512xf32>
    %reduce_sum3A_717 = vector.multi_reduction <add>, %mul3A_715, %reduce_sum3A_716 [1] : vector<512x2048xf32> to vector<512xf32>
    %get3A_718 = arith.constant 1536 : index
    %get3A_719 = vector.load %arg3[%get3A_718] : memref<2048xf32, #tpu.memory_space<vmem>>, vector<512xf32>
    %add3A_720 = arith.addf %reduce_sum3A_717, %get3A_719 : vector<512xf32>
    %max3A_721 = arith.constant 0.000000e+00 : f32
    %max3A_722 = vector.broadcast %max3A_721 : f32 to vector<512xf32>
    %max3A_723 = arith.maximumf %add3A_720, %max3A_722 : vector<512xf32>
    %broadcast_in_dim3A_724 = vector.shape_cast %max3A_723 : vector<512xf32> to vector<1x512xf32>
    %swap3A_725 = arith.constant 0 : index
    %swap3A_726 = arith.constant 1536 : index
    %swap3A_727 = vector.load %arg10[%swap3A_725, %swap3A_726] : memref<1x2048xf32, #tpu.memory_space<vmem>>, vector<1x512xf32>
    tpu.vector_store %arg10[%swap3A_725, %swap3A_726], %broadcast_in_dim3A_724 {strides = array<i32>} : memref<1x2048xf32, #tpu.memory_space<vmem>>, vector<1x512xf32>,
    %dma_start3A_728 = arith.constant 3 : i32
    %dma_start3A_729 = arith.constant 3 : i32
    %dma_start3A_730 = tpu.memref_slice %arg15[%dma_start3A_729] : memref<4x!tpu.dma_semaphore, #tpu.memory_space<semaphore_mem>> -> memref<1x!tpu.dma_semaphore, #tpu.memory_space<semaphore_mem>>
    %dma_start3A_731 = tpu.memref_squeeze %dma_start3A_730 : memref<1x!tpu.dma_semaphore, #tpu.memory_space<semaphore_mem>> -> memref<!tpu.dma_semaphore, #tpu.memory_space<semaphore_mem>>
    %dma_start3A_732 = arith.constant 1536 : i32
    %dma_start3A_733 = arith.constant 0 : i32
    %dma_start3A_734 = tpu.memref_slice %arg9[%dma_start3A_732, %dma_start3A_733] : memref<2048x2048xf32, #tpu.memory_space<any>> -> memref<512x2048xf32, #tpu.memory_space<any>>
    %dma_start3A_735 = arith.constant 0 : i32
    %dma_start3A_736 = arith.constant 0 : i32
    %dma_start3A_737 = tpu.memref_slice %arg13[%dma_start3A_728, %dma_start3A_735, %dma_start3A_736] : memref<4x512x2048xf32, #tpu.memory_space<vmem>> -> memref<1x512x2048xf32, #tpu.memory_space<vmem>>
    %dma_start3A_738 = tpu.memref_squeeze %dma_start3A_737 : memref<1x512x2048xf32, #tpu.memory_space<vmem>> -> memref<512x2048xf32, #tpu.memory_space<vmem>>
    tpu.enqueue_dma source(%dma_start3A_738 : memref<512x2048xf32, #tpu.memory_space<vmem>>) target(%dma_start3A_734 : memref<512x2048xf32, #tpu.memory_space<any>>) target_semaphore(%dma_start3A_731 : memref<!tpu.dma_semaphore, #tpu.memory_space<semaphore_mem>>)
    %dma_wait3A_739 = arith.constant 0 : i32
    %dma_wait3A_740 = arith.constant 0 : i32
    %dma_wait3A_741 = tpu.memref_slice %arg15[%dma_wait3A_740] : memref<4x!tpu.dma_semaphore, #tpu.memory_space<semaphore_mem>> -> memref<1x!tpu.dma_semaphore, #tpu.memory_space<semaphore_mem>>
    %dma_wait3A_742 = tpu.memref_squeeze %dma_wait3A_741 : memref<1x!tpu.dma_semaphore, #tpu.memory_space<semaphore_mem>> -> memref<!tpu.dma_semaphore, #tpu.memory_space<semaphore_mem>>
    %dma_wait3A_743 = arith.constant 0 : i32
    %dma_wait3A_744 = arith.constant 0 : i32
    %dma_wait3A_745 = tpu.memref_slice %arg9[%dma_wait3A_743, %dma_wait3A_744] : memref<2048x2048xf32, #tpu.memory_space<any>> -> memref<512x2048xf32, #tpu.memory_space<any>>
    %dma_wait3A_746 = arith.constant 0 : i32
    %dma_wait3A_747 = arith.constant 0 : i32
    %dma_wait3A_748 = tpu.memref_slice %arg13[%dma_wait3A_739, %dma_wait3A_746, %dma_wait3A_747] : memref<4x512x2048xf32, #tpu.memory_space<vmem>> -> memref<1x512x2048xf32, #tpu.memory_space<vmem>>
    %dma_wait3A_749 = tpu.memref_squeeze %dma_wait3A_748 : memref<1x512x2048xf32, #tpu.memory_space<vmem>> -> memref<512x2048xf32, #tpu.memory_space<vmem>>
    tpu.wait_dma2 semaphore(%dma_wait3A_742 : memref<!tpu.dma_semaphore, #tpu.memory_space<semaphore_mem>>) src(%dma_wait3A_749 : memref<512x2048xf32, #tpu.memory_space<vmem>>) dst(%dma_wait3A_745 : memref<512x2048xf32, #tpu.memory_space<any>>)
    %dma_wait3A_750 = arith.constant 1 : i32
    %dma_wait3A_751 = arith.constant 1 : i32
    %dma_wait3A_752 = tpu.memref_slice %arg15[%dma_wait3A_751] : memref<4x!tpu.dma_semaphore, #tpu.memory_space<semaphore_mem>> -> memref<1x!tpu.dma_semaphore, #tpu.memory_space<semaphore_mem>>
    %dma_wait3A_753 = tpu.memref_squeeze %dma_wait3A_752 : memref<1x!tpu.dma_semaphore, #tpu.memory_space<semaphore_mem>> -> memref<!tpu.dma_semaphore, #tpu.memory_space<semaphore_mem>>
    %dma_wait3A_754 = arith.constant 512 : i32
    %dma_wait3A_755 = arith.constant 0 : i32
    %dma_wait3A_756 = tpu.memref_slice %arg9[%dma_wait3A_754, %dma_wait3A_755] : memref<2048x2048xf32, #tpu.memory_space<any>> -> memref<512x2048xf32, #tpu.memory_space<any>>
    %dma_wait3A_757 = arith.constant 0 : i32
    %dma_wait3A_758 = arith.constant 0 : i32
    %dma_wait3A_759 = tpu.memref_slice %arg13[%dma_wait3A_750, %dma_wait3A_757, %dma_wait3A_758] : memref<4x512x2048xf32, #tpu.memory_space<vmem>> -> memref<1x512x2048xf32, #tpu.memory_space<vmem>>
    %dma_wait3A_760 = tpu.memref_squeeze %dma_wait3A_759 : memref<1x512x2048xf32, #tpu.memory_space<vmem>> -> memref<512x2048xf32, #tpu.memory_space<vmem>>
    tpu.wait_dma2 semaphore(%dma_wait3A_753 : memref<!tpu.dma_semaphore, #tpu.memory_space<semaphore_mem>>) src(%dma_wait3A_760 : memref<512x2048xf32, #tpu.memory_space<vmem>>) dst(%dma_wait3A_756 : memref<512x2048xf32, #tpu.memory_space<any>>)
    %dma_wait3A_761 = arith.constant 2 : i32
    %dma_wait3A_762 = arith.constant 2 : i32
    %dma_wait3A_763 = tpu.memref_slice %arg15[%dma_wait3A_762] : memref<4x!tpu.dma_semaphore, #tpu.memory_space<semaphore_mem>> -> memref<1x!tpu.dma_semaphore, #tpu.memory_space<semaphore_mem>>
    %dma_wait3A_764 = tpu.memref_squeeze %dma_wait3A_763 : memref<1x!tpu.dma_semaphore, #tpu.memory_space<semaphore_mem>> -> memref<!tpu.dma_semaphore, #tpu.memory_space<semaphore_mem>>
    %dma_wait3A_765 = arith.constant 1024 : i32
    %dma_wait3A_766 = arith.constant 0 : i32
    %dma_wait3A_767 = tpu.memref_slice %arg9[%dma_wait3A_765, %dma_wait3A_766] : memref<2048x2048xf32, #tpu.memory_space<any>> -> memref<512x2048xf32, #tpu.memory_space<any>>
    %dma_wait3A_768 = arith.constant 0 : i32
    %dma_wait3A_769 = arith.constant 0 : i32
    %dma_wait3A_770 = tpu.memref_slice %arg13[%dma_wait3A_761, %dma_wait3A_768, %dma_wait3A_769] : memref<4x512x2048xf32, #tpu.memory_space<vmem>> -> memref<1x512x2048xf32, #tpu.memory_space<vmem>>
    %dma_wait3A_771 = tpu.memref_squeeze %dma_wait3A_770 : memref<1x512x2048xf32, #tpu.memory_space<vmem>> -> memref<512x2048xf32, #tpu.memory_space<vmem>>
    tpu.wait_dma2 semaphore(%dma_wait3A_764 : memref<!tpu.dma_semaphore, #tpu.memory_space<semaphore_mem>>) src(%dma_wait3A_771 : memref<512x2048xf32, #tpu.memory_space<vmem>>) dst(%dma_wait3A_767 : memref<512x2048xf32, #tpu.memory_space<any>>)
    %dma_wait3A_772 = arith.constant 3 : i32
    %dma_wait3A_773 = arith.constant 3 : i32
    %dma_wait3A_774 = tpu.memref_slice %arg15[%dma_wait3A_773] : memref<4x!tpu.dma_semaphore, #tpu.memory_space<semaphore_mem>> -> memref<1x!tpu.dma_semaphore, #tpu.memory_space<semaphore_mem>>
    %dma_wait3A_775 = tpu.memref_squeeze %dma_wait3A_774 : memref<1x!tpu.dma_semaphore, #tpu.memory_space<semaphore_mem>> -> memref<!tpu.dma_semaphore, #tpu.memory_space<semaphore_mem>>
    %dma_wait3A_776 = arith.constant 1536 : i32
    %dma_wait3A_777 = arith.constant 0 : i32
    %dma_wait3A_778 = tpu.memref_slice %arg9[%dma_wait3A_776, %dma_wait3A_777] : memref<2048x2048xf32, #tpu.memory_space<any>> -> memref<512x2048xf32, #tpu.memory_space<any>>
    %dma_wait3A_779 = arith.constant 0 : i32
    %dma_wait3A_780 = arith.constant 0 : i32
    %dma_wait3A_781 = tpu.memref_slice %arg13[%dma_wait3A_772, %dma_wait3A_779, %dma_wait3A_780] : memref<4x512x2048xf32, #tpu.memory_space<vmem>> -> memref<1x512x2048xf32, #tpu.memory_space<vmem>>
    %dma_wait3A_782 = tpu.memref_squeeze %dma_wait3A_781 : memref<1x512x2048xf32, #tpu.memory_space<vmem>> -> memref<512x2048xf32, #tpu.memory_space<vmem>>
    tpu.wait_dma2 semaphore(%dma_wait3A_775 : memref<!tpu.dma_semaphore, #tpu.memory_space<semaphore_mem>>) src(%dma_wait3A_782 : memref<512x2048xf32, #tpu.memory_space<vmem>>) dst(%dma_wait3A_778 : memref<512x2048xf32, #tpu.memory_space<any>>)
    return
  }
}

module attributes {stable_mosaic.version = 14 : i64} {
  func.func @_patch_body(%arg0: i32, %arg1: memref<16xf32, #tpu.memory_space<vmem>>, %arg2: memref<8x128xf32, #tpu.memory_space<vmem>>, %arg3: memref<8x128xf32, #tpu.memory_space<vmem>>, %arg4: memref<8x128xf32, #tpu.memory_space<vmem>>, %arg5: memref<8x128xf32, #tpu.memory_space<vmem>>, %arg6: memref<8x128xf32, #tpu.memory_space<vmem>>, %arg7: memref<8x128xf32, #tpu.memory_space<vmem>>) attributes {dimension_semantics = [#tpu.dimension_semantics<arbitrary>], iteration_bounds = array<i64: 1>, scalar_prefetch = 0 : i64, scratch_operands = 0 : i64, tpu.core_type = #tpu.core_type<tc>, window_params = [{pipeline_mode = #tpu.pipeline_mode<synchronous>, transform_indices = @transform_0, window_bounds = array<i64: 16>}, {transform_indices = @transform_1, window_bounds = array<i64: 8, 128>}, {transform_indices = @transform_2, window_bounds = array<i64: 8, 128>}, {transform_indices = @transform_3, window_bounds = array<i64: 8, 128>}, {transform_indices = @transform_4, window_bounds = array<i64: 8, 128>}, {transform_indices = @transform_5, window_bounds = array<i64: 8, 128>}, {transform_indices = @transform_6, window_bounds = array<i64: 8, 128>}]} {
    %iota3A = tpu.iota {dimensions = array<i32: 0>} : vector<8x128xi32>
    %iota3A_0 = tpu.iota {dimensions = array<i32: 1>} : vector<8x128xi32>
    %eq3A = arith.constant 0 : i32
    %eq3A_1 = vector.broadcast %eq3A : i32 to vector<8x128xi32>
    %eq3A_2 = arith.cmpi eq, %iota3A, %eq3A_1 : vector<8x128xi32>
    %eq3A_3 = arith.constant 0 : i32
    %eq3A_4 = vector.broadcast %eq3A_3 : i32 to vector<8x128xi32>
    %eq3A_5 = arith.cmpi eq, %iota3A_0, %eq3A_4 : vector<8x128xi32>
    %and3A = arith.andi %eq3A_2, %eq3A_5 : vector<8x128xi1>
    %get3A = arith.constant 0 : index
    %get3A_6 = vector.load %arg1[%get3A] : memref<16xf32, #tpu.memory_space<vmem>>, vector<1xf32>
    %get3A_7 = vector.extract %get3A_6[0] : f32 from vector<1xf32>
    %get3A_8 = arith.constant 0 : index
    %get3A_9 = arith.constant 0 : index
    %get3A_10 = vector.load %arg2[%get3A_8, %get3A_9] : memref<8x128xf32, #tpu.memory_space<vmem>>, vector<8x128xf32>
    %broadcast_in_dim3A = vector.broadcast %get3A_7 : f32 to vector<8x128xf32>
    %select_n3A = arith.select %and3A, %broadcast_in_dim3A, %get3A_10 : vector<8x128xi1>, vector<8x128xf32>
    %swap3A = arith.constant 0 : index
    %swap3A_11 = arith.constant 0 : index
    %swap3A_12 = vector.load %arg5[%swap3A, %swap3A_11] : memref<8x128xf32, #tpu.memory_space<vmem>>, vector<8x128xf32>
    tpu.vector_store %arg5[%swap3A, %swap3A_11], %select_n3A {strides = array<i32>} : memref<8x128xf32, #tpu.memory_space<vmem>>, vector<8x128xf32>,
    %get3A_13 = arith.constant 1 : index
    %get3A_14 = vector.load %arg1[%get3A_13] : memref<16xf32, #tpu.memory_space<vmem>>, vector<1xf32>
    %get3A_15 = vector.extract %get3A_14[0] : f32 from vector<1xf32>
    %get3A_16 = arith.constant 0 : index
    %get3A_17 = arith.constant 0 : index
    %get3A_18 = vector.load %arg3[%get3A_16, %get3A_17] : memref<8x128xf32, #tpu.memory_space<vmem>>, vector<8x128xf32>
    %broadcast_in_dim3A_19 = vector.broadcast %get3A_15 : f32 to vector<8x128xf32>
    %select_n3A_20 = arith.select %and3A, %broadcast_in_dim3A_19, %get3A_18 : vector<8x128xi1>, vector<8x128xf32>
    %swap3A_21 = arith.constant 0 : index
    %swap3A_22 = arith.constant 0 : index
    %swap3A_23 = vector.load %arg6[%swap3A_21, %swap3A_22] : memref<8x128xf32, #tpu.memory_space<vmem>>, vector<8x128xf32>
    tpu.vector_store %arg6[%swap3A_21, %swap3A_22], %select_n3A_20 {strides = array<i32>} : memref<8x128xf32, #tpu.memory_space<vmem>>, vector<8x128xf32>,
    %get3A_24 = arith.constant 2 : index
    %get3A_25 = vector.load %arg1[%get3A_24] : memref<16xf32, #tpu.memory_space<vmem>>, vector<1xf32>
    %get3A_26 = vector.extract %get3A_25[0] : f32 from vector<1xf32>
    %get3A_27 = arith.constant 0 : index
    %get3A_28 = arith.constant 0 : index
    %get3A_29 = vector.load %arg4[%get3A_27, %get3A_28] : memref<8x128xf32, #tpu.memory_space<vmem>>, vector<8x128xf32>
    %broadcast_in_dim3A_30 = vector.broadcast %get3A_26 : f32 to vector<8x128xf32>
    %select_n3A_31 = arith.select %and3A, %broadcast_in_dim3A_30, %get3A_29 : vector<8x128xi1>, vector<8x128xf32>
    %swap3A_32 = arith.constant 0 : index
    %swap3A_33 = arith.constant 0 : index
    %swap3A_34 = vector.load %arg7[%swap3A_32, %swap3A_33] : memref<8x128xf32, #tpu.memory_space<vmem>>, vector<8x128xf32>
    tpu.vector_store %arg7[%swap3A_32, %swap3A_33], %select_n3A_31 {strides = array<i32>} : memref<8x128xf32, #tpu.memory_space<vmem>>, vector<8x128xf32>,
    return
  }
  func.func @transform_0(%arg0: i32) -> i32 {
    %c0_i32 = arith.constant 0 : i32
    %c0_i32_0 = arith.constant 0 : i32
    return %c0_i32 : i32
  }
  func.func @transform_1(%arg0: i32) -> (i32, i32) {
    %c0_i32 = arith.constant 0 : i32
    %c0_i32_0 = arith.constant 0 : i32
    %c0_i32_1 = arith.constant 0 : i32
    return %c0_i32, %c0_i32_0 : i32, i32
  }
  func.func @transform_2(%arg0: i32) -> (i32, i32) {
    %c0_i32 = arith.constant 0 : i32
    %c0_i32_0 = arith.constant 0 : i32
    %c0_i32_1 = arith.constant 0 : i32
    return %c0_i32, %c0_i32_0 : i32, i32
  }
  func.func @transform_3(%arg0: i32) -> (i32, i32) {
    %c0_i32 = arith.constant 0 : i32
    %c0_i32_0 = arith.constant 0 : i32
    %c0_i32_1 = arith.constant 0 : i32
    return %c0_i32, %c0_i32_0 : i32, i32
  }
  func.func @transform_4(%arg0: i32) -> (i32, i32) {
    %c0_i32 = arith.constant 0 : i32
    %c0_i32_0 = arith.constant 0 : i32
    %c0_i32_1 = arith.constant 0 : i32
    return %c0_i32, %c0_i32_0 : i32, i32
  }
  func.func @transform_5(%arg0: i32) -> (i32, i32) {
    %c0_i32 = arith.constant 0 : i32
    %c0_i32_0 = arith.constant 0 : i32
    %c0_i32_1 = arith.constant 0 : i32
    return %c0_i32, %c0_i32_0 : i32, i32
  }
  func.func @transform_6(%arg0: i32) -> (i32, i32) {
    %c0_i32 = arith.constant 0 : i32
    %c0_i32_0 = arith.constant 0 : i32
    %c0_i32_1 = arith.constant 0 : i32
    return %c0_i32, %c0_i32_0 : i32, i32
  }
}

</mosaic_0001>

<sc_bundles>
// kernel: kernel.5.cloned.1.call-start
scs
__scs_entry_jumppad:
0x0: {  	(pc) =	sbr.rel $0x88, $3  }
0x1: {  	(tag) =	ssettag $0x0;
	lr =	simm.s32 $0x1  }
0x2: {  	[smem:$0x3F98] =	sst lr;
	_ =	strace $0xD0000000  }
0x3: {  	_ = 	snop  }
0x4: {  	_ = 	snop  }
0x5: {  	_ = 	snop  }
0x6: {  	_ = 	snop  }
0x7: {  	_ = 	snop  }
__scs_overlays_trampoline_lowered:
0x8: {  	[smem:$0x3FA7] =	sst s0  }
0x9: {  	[smem:$0x3FA8] =	sst s1  }
0xa: {  	[smem:$0x3FA9] =	sst s2  }
0xb: {  	[smem:$0x3FAA] =	sst s3  }
0xc: {  	[smem:$0x3FAB] =	sst s4  }
0xd: {  	[smem:$0x3FAC] =	sst s5  }
0xe: {  	[smem:$0x3FAD] =	sst s6  }
0xf: {  	[smem:$0x3FAE] =	sst s7  }
0x10: {  	[smem:$0x3FAF] =	sst s8  }
0x11: {  	[smem:$0x3FB0] =	sst s9;
	s0 =	simm.s32 @!p0 $0x0  }
0x12: {  	s1 =	sld [smem:$0x3F96];
	s0 =	simm.s32 @p0 $0x1  }
0x13: {  	[smem:$0x3FB1] =	sst s0;
	s0 =	simm.s32 @!p1 $0x0  }
0x14: {  	s2 =	sld [smem:$0x3F95];
	s0 =	simm.s32 @p1 $0x1  }
0x15: {  	[smem:$0x3FB2] =	sst s0;
	s0 =	simm.s32 @!p2 $0x0  }
0x16: {  	s3 =	sld [smem:$0x3FDB];
	s0 =	simm.s32 @p2 $0x1  }
0x17: {  	s4 =	simm.s32 $0x1BF5;
	[smem:$0x3FB4] =	sst s0  }
0x18: {  	s0 =	sld [smem:$0x3F97];
	_ =	swait.ge [sflag:s4], $0x0  }
0x19: {  	s7 =	sld [smem:$0x3F98]  }
0x1a: {  	s8 =	sadd.s32 $0xFFFFE003, lr  }
0x1b: {  	s9 =	sadd.s32 $0xFFFFFEF7, lr;
	s5 =	simm.s32 $0xFFFFFFFF;
	p2 =	slt.u32 s8, $0xFFFFF086  }
0x1c: {  	p1 =	slt.u32 s9, $0xF7A;
	s5 =	simm.s32 @!p2 $0x0  }
0x1d: {  	s5 =	simm.s32 @p1 $0x1;
	p0 =	seq.s32 s7, s2  }
0x1e: {  	s7 =	smul.u32 @!p0 $0xF7A, s2;
	p2 =	seq.s32 @!p0 s5, $0x0  }
0x1f: {  	s9 =	smul.u32 $0xF7A, s1;
	s8 =	simm.s32 @!p0 $0x1BF5;
	p2 =	por !p2, p0  }
0x20: {  	[sflag:s8] =	ssyncset.s32 @!p0 $0xFFFFF086;
	s6 =	sadd.s32 @!p0 s3, s7;
	s7 =	simm.s32 @!p0 $0x108  }
0x21: {  	s3 =	sadd.s32 s3, s9;
	s6 =	sadd.s32 @!p0 $0x88, s6;
	s7 =	simm.s32 @p2 $0x1082  }
0x22: {  	[simem:s7], [sflag:s8] =	dma.local @!p0 [hbm:s6], $0xF7A  }
0x23: {  	s9 =	sor.u32 $0xD0000000, s2;
	s6 =	simm.s32 $0x108;
	_ =	swait.ge @!p0 [sflag:s8], $0x0  }
0x24: {  	s3 =	sadd.s32 $0x88, s3;
	s6 =	simm.s32 @!p1 $0x1082;
	[sflag:s4] =	ssyncset.s32 $0xFFFFF086  }
0x25: {  	[simem:s6], [sflag:s4] =	dma.local [hbm:s3], $0xF7A  }
0x26: {  	[smem:$0x3F98] =	sst s1;
	(tag) =	ssettag s2;
	_ =	strace s9  }
0x27: {  	s1 =	sld [smem:$0x3FA8]  }
0x28: {  	s2 =	sld [smem:$0x3FA9]  }
0x29: {  	s4 =	sld [smem:$0x3FAB]  }
0x2a: {  	p0 =	seq.s32 s5, $0x0;
	s5 =	sld [smem:$0x3FAC]  }
0x2b: {  	s6 =	sld [smem:$0x3FAD]  }
0x2c: {  	s7 =	sld [smem:$0x3FAE]  }
0x2d: {  	s3 =	simm.s32 $0x108;
	s8 =	sld [smem:$0x3FAF]  }
0x2e: {  	s3 =	simm.s32 @!p0 $0x1082;
	s9 =	sld [smem:$0x3FB0]  }
0x2f: {  	lr =	sadd.s32 s0, s3;
	s0 =	sld [smem:$0x3FA7]  }
0x30: {  	s3 =	sld [smem:$0x3FAA]  }
0x31: {  	[smem:$0x3FB3] =	sst s10  }
0x32: {  	s10 =	sld [smem:$0x3FB1];
	_ =	sdelay $0x3  }
0x33: {  	p0 =	seq.s32 s10, $0x1;
	s10 =	sld [smem:$0x3FB3];
	_ =	sdelay $0x3  }
0x34: {  	[smem:$0x3FB3] =	sst s10  }
0x35: {  	s10 =	sld [smem:$0x3FB2];
	_ =	sdelay $0x3  }
0x36: {  	p1 =	seq.s32 s10, $0x1;
	s10 =	sld [smem:$0x3FB3];
	_ =	sdelay $0x3  }
0x37: {  	[smem:$0x3FB3] =	sst s10  }
0x38: {  	s10 =	sld [smem:$0x3FB4]  }
0x39: {  	_ = 	snop;
	(pc) =	sbr.ind lr, $3  }
0x3a: {  	_ = 	snop  }
0x3b: {  	_ = 	snop  }
0x3c: {  	p2 =	seq.s32 s10, $0x1;
	s10 =	sld [smem:$0x3FB3]  }
0x3d: {  	_ =	shalt  }
0x3e: {  	_ =	shalt  }
0x3f: {  	_ =	shalt  }
0x40: {  	_ =	shalt  }
0x41: {  	_ =	shalt  }
0x42: {  	_ =	shalt  }
0x43: {  	_ =	shalt  }
0x44: {  	_ =	shalt  }
0x45: {  	_ =	shalt  }
0x46: {  	_ =	shalt  }
0x47: {  	_ =	shalt  }
0x48: {  	_ =	shalt  }
0x49: {  	_ =	shalt  }
0x4a: {  	_ =	shalt  }
0x4b: {  	_ =	shalt  }
0x4c: {  	_ =	shalt  }
0x4d: {  	_ =	shalt  }
0x4e: {  	_ =	shalt  }
0x4f: {  	_ =	shalt  }
0x50: {  	_ =	shalt  }
0x51: {  	_ =	shalt  }
0x52: {  	_ =	shalt  }
0x53: {  	_ =	shalt  }
0x54: {  	_ =	shalt  }
0x55: {  	_ =	shalt  }
0x56: {  	_ =	shalt  }
0x57: {  	_ =	shalt  }
0x58: {  	_ =	shalt  }
0x59: {  	_ =	shalt  }
0x5a: {  	_ =	shalt  }
0x5b: {  	_ =	shalt  }
0x5c: {  	_ =	shalt  }
0x5d: {  	_ =	shalt  }
0x5e: {  	_ =	shalt  }
0x5f: {  	_ =	shalt  }
0x60: {  	_ =	shalt  }
0x61: {  	_ =	shalt  }
0x62: {  	_ =	shalt  }
0x63: {  	_ =	shalt  }
0x64: {  	_ =	shalt  }
0x65: {  	_ =	shalt  }
0x66: {  	_ =	shalt  }
0x67: {  	_ =	shalt  }
0x68: {  	_ =	shalt  }
0x69: {  	_ =	shalt  }
0x6a: {  	_ =	shalt  }
0x6b: {  	_ =	shalt  }
0x6c: {  	_ =	shalt  }
0x6d: {  	_ =	shalt  }
0x6e: {  	_ =	shalt  }
0x6f: {  	_ =	shalt  }
0x70: {  	_ =	shalt  }
0x71: {  	_ =	shalt  }
0x72: {  	_ =	shalt  }
0x73: {  	_ =	shalt  }
0x74: {  	_ =	shalt  }
0x75: {  	_ =	shalt  }
0x76: {  	_ =	shalt  }
0x77: {  	_ =	shalt  }
0x78: {  	_ =	shalt  }
0x79: {  	_ =	shalt  }
0x7a: {  	_ =	shalt  }
0x7b: {  	_ =	shalt  }
0x7c: {  	_ =	shalt  }
0x7d: {  	_ =	shalt  }
0x7e: {  	_ =	shalt  }
0x7f: {  	_ =	shalt  }
0x80: {  	_ =	shalt  }
0x81: {  	_ =	shalt  }
0x82: {  	_ =	shalt  }
0x83: {  	_ =	shalt  }
0x84: {  	_ =	shalt  }
0x85: {  	_ =	shalt  }
0x86: {  	_ =	shalt  }
0x87: {  	_ =	shalt  }
.Lfunc_end0:
.L_simem_size_0:
called_computation_lowered:
.L_overlay_start_0:
0x88: {  	s2 =	sld [smem:$0x3FD9]  }
0x89: {  	s3 =	sld [smem:$0x3FFE];
	_ =	sdelay $0x1  }
0x8a: {  	s1 =	srdreg.scid  }
0x8b: {  	s0 =	sand.u32 $0x1, s1  }
0x8c: {  	s14 =	sshll.u32 s0, $0xA;
	s2 =	sadd.s32 s3, s2  }
0x8d: {  	s2 =	sadd.s32 s2, s14  }
0x8e: {  	[smem:$0x3FBF] =	sst s2  }
0x8f: {  	_ = 	snop  }
0x90: {  	s2 =	sld [smem:$0x3FD0];
	_ =	sdelay $0x2  }
0x91: {  	s4 =	simm.s32 $0xA;
	s5 =	simm.s32 $0x10;
	s15 =	sld [smem:$0x3FC9]  }
0x92: {  	[smem:s5], [sflag:s4] =	dma.local [hbm:s2], $0x1  }
0x93: {  	_ =	swait.eq [sflag:s4], $0x1  }
0x94: {  	[sflag:s4] =	ssyncset.done $0x0  }
0x95: {  	[sflag:s4] =	ssyncadd.s32 $0xFFFFFFFF  }
0x96: {  	s16 =	sld [smem:$0x10];
	(tm) =	ssettm $0x1  }
0x97: {  	s17 =	sld [smem:$0x3FFB];
	_ =	sdelay $0x3  }
0x98: {  	_ =	strace s17  }
0x99: {  	s4 =	sld [smem:$0x3FFC];
	_ =	sdelay $0x3  }
0x9a: {  	_ =	strace s4  }
0x9b: {  	s4 =	sld [smem:$0x3FFD];
	_ =	sdelay $0x3  }
0x9c: {  	_ =	strace s4  }
0x9d: {  	_ =	strace $0x8FFFFFFF  }
0x9e: {  	s18 =	sld [smem:$0x3FDB];
	_ =	sdelay $0x1  }
0x9f: {  	s19 =	simm.s32 $_scs_section_size  }
0xa0: {  	s6 =	simm.s32 $_size__tile_overlayer_lowered;
	s7 =	simm.s32 $_tile_overlayer_lowered  }
0xa1: {  	s22 =	simm.s32 $0x1BFF;
	s21 =	sshll.u32 s7, $0x1;
	s4 =	sadd.s32 s19, s18  }
0xa2: {  	s8 =	simm.s32 $0x0;
	s20 =	sshll.u32 s6, $0x1;
	s6 =	sadd.s32 s21, s4  }
0xa3: {  	[timem:s8], [sflag:s22] =	dma.local [hbm:s6], s20  }
0xa4: {  	_ =	swait.ge [sflag:s22], s20  }
0xa5: {  	s5 =	ssub.s32 $0x0, s20;
	[sflag:s22] =	ssyncset.done $0x0  }
0xa6: {  	[sflag:s22] =	ssyncadd.s32 s5;
	_ =	sdelay $0x1  }
0xa7: {  	s23 =	simm.s32 $0x1B8B  }
0xa8: {  	_ =	swait.ge [sflag:s23], $0x1  }
0xa9: {  	[sflag:s23] =	ssyncset.done $0x0  }
0xaa: {  	s25 =	simm.s32 $0x1B8E;
	s24 =	sld [smem:$0x3FFE];
	[sflag:s23] =	ssyncadd.s32 $0xFFFFFFFF  }
0xab: {  	s26 =	simm.s32 $execute0_lowered;
	[smem:$0x3FD2] =	sst s25  }
0xac: {  	s6 =	sshll.u32 s26, $0x1;
	_ =	strace $0x80000046;
	[dreg:$0x1] =	wrdreg $0xFFFFFFFF  }
0xad: {  	s28 =	simm.s32 $_size_execute0_lowered;
	s4 =	sadd.s32 s4, s6;
	[dreg:$0x0] =	wrdreg $0x0  }
0xae: {  	s6 =	sshll.u32 s28, $0x1;
	[dreg:$0x2] =	wrdreg s4  }
0xaf: {  	[dreg:$0x3] =	wrdreg s6  }
0xb0: {  	[dreg:$0x4] =	wrdreg $0xC0  }
0xb1: {  	_ =	task [dreg:s8], $0x5FFFF  }
0xb2: {  	[dreg:$0x1] =	wrdreg $0xFFFFFFFF  }
0xb3: {  	[dreg:$0x0] =	wrdreg $0x60  }
0xb4: {  	[dreg:$0x2] =	wrdreg s15  }
0xb5: {  	[dreg:$0x3] =	wrdreg s24  }
0xb6: {  	[dreg:$0x4] =	wrdreg s16  }
0xb7: {  	[dreg:$0x5] =	wrdreg $0x9  }
0xb8: {  	_ =	task.clear_ibuf [dreg:s8], $0x6FFFF;
	_ =	strace $0x90000046  }
0xb9: {  	s29 =	simm.s32 $0x9;
	_ =	strace $0x80000048  }
0xba: {  	_ =	swait.ge [sflag:s29], $0x1  }
0xbb: {  	[sflag:s29] =	ssyncadd.s32 $0xFFFFFFFF  }
0xbc: {  	_ =	strace $0x90000048  }
0xbd: {  	_ =	sfence  }
0xbe: {  	s30 =	sld [smem:$0x0];
	_ =	sdelay $0x2  }
0xbf: {  	s31 =	sshll.u32 s1, $0xD;
	s1 =	sshrl.u32 s1, $0x2  }
0xc0: {  	s3 =	sand.u32 $0x4000, s31;
	s1 =	sadd.s32 s1, s30  }
0xc1: {  	s0 =	sor.u32 s3, s0;
	s1 =	sshll.u32 s1, $0x11  }
0xc2: {  	s0 =	sor.u32 s1, s0  }
0xc3: {  	s0 =	sadd.s32 $0x8F2B, s0  }
0xc4: {  	[sflag:s0] =	ssyncadd.remote.s32 $0x1  }
0xc5: {  	_ =	sfence.sel $0xFFFF  }
0xc6: {  	[dreg:$0x0] =	wrdreg $0xFFFFFFFF;
	(pc) =	sbr.abs _section_cstart, $3  }
0xc7: {  	[dreg:$0x1] =	wrdreg $0xFFFFFFFF  }
0xc8: {  	_ =	task.clear_ibuf [dreg:s8], $0x2FFFF;
	_ =	strace $0x9FFFFFFF  }
0xc9: {  	(tm) =	ssettm $0x7FFFFFFF  }
tec
execute0_lowered:
.L_overlay_start_1:
0x0: {  	(tag) =	ssettag $0x1  }
0x1: {  	s0 =	srdreg.scid  }
0x2: {  	s20 =	sand.u32 $0x1, s0;
	s0 =	stileid.u32  }
0x3: {  	s4 =	sshll.u32 s0, $0x1;
	s5 =	ssub.s32 $0x0, s20  }
0x4: {  	p0 =	sne.s32 s4, s5  }
.Ltmp0:
0x5: {  	_ = 	snop;
	(pc) =	sbr.rel @p0 .LBB2_4-.Ltmp0, $4  }
0x6: {  	s2 =	rddreg [dreg:$0x0]  }
0x7: {  	s19 =	rddreg [dreg:$0x1]  }
0x8: {  	s3 =	rddreg [dreg:$0x2]  }
0x9: {  	s1 =	rddreg [dreg:$0x3];
	_ =	strace $0x80000047  }
0xa: {  	s5 =	simm.s32 $0x0;
	s4 =	simm.s32 $0x1  }
0xb: {  	[tilespmem:s5], [sflag:$0x1] =	stream.linear.gather [hbm4b:s2+s5], $0x10, $0x38;
	[tilespmem:$0x500] =	vst v63  }
0xc: {  	_ =	swait.ge [sflag:s4], $0x10  }
0xd: {  	[sflag:s4] =	ssyncset.done $0x0  }
0xe: {  	s6 =	sadd.s32 $0x183C00, s19;
	s7 =	simm.s32 $0x80;
	[sflag:s4] =	ssyncadd.s32 $0xFFFFFFF0  }
0xf: {  	[tilespmem:s7], [sflag:$0x1] =	stream.linear.gather [hbm4b:s6+s5], $0x10, $0x38;
	[tilespmem:$0x500] =	vst v63  }
0x10: {  	_ =	swait.ge [sflag:s4], $0x10  }
0x11: {  	[sflag:s4] =	ssyncset.done $0x0  }
0x12: {  	s8 =	sadd.s32 $0x183E00, s19;
	s9 =	simm.s32 $0x100;
	[sflag:s4] =	ssyncadd.s32 $0xFFFFFFF0  }
0x13: {  	[tilespmem:s9], [sflag:$0x1] =	stream.linear.gather [hbm4b:s8+s5], $0x10, $0x38;
	[tilespmem:$0x500] =	vst v63  }
0x14: {  	_ =	swait.ge [sflag:s4], $0x10  }
0x15: {  	[sflag:s4] =	ssyncset.done $0x0  }
0x16: {  	s10 =	simm.s32 $0x180;
	[sflag:s4] =	ssyncadd.s32 $0xFFFFFFF0  }
0x17: {  	[tilespmem:s10], [sflag:$0x1] =	stream.linear.gather [hbm4b:s3+s5], $0x10, $0x38;
	[tilespmem:$0x500] =	vst v63  }
0x18: {  	_ =	swait.ge [sflag:s4], $0x10  }
0x19: {  	[sflag:s4] =	ssyncset.done $0x0  }
0x1a: {  	s11 =	sadd.s32 $0x103A00, s19;
	s12 =	simm.s32 $0x200;
	[sflag:s4] =	ssyncadd.s32 $0xFFFFFFF0  }
0x1b: {  	[tilespmem:s12], [sflag:$0x1] =	stream.linear.gather [hbm4b:s11+s5], $0x10, $0x38;
	[tilespmem:$0x500] =	vst v63  }
0x1c: {  	_ =	swait.ge [sflag:s4], $0x10  }
0x1d: {  	[sflag:s4] =	ssyncset.done $0x0  }
0x1e: {  	s13 =	sadd.s32 $0x83A00, s19;
	s14 =	simm.s32 $0x280;
	[sflag:s4] =	ssyncadd.s32 $0xFFFFFFF0  }
0x1f: {  	[tilespmem:s14], [sflag:$0x1] =	stream.linear.gather [hbm4b:s13+s5], $0x10, $0x38;
	[tilespmem:$0x500] =	vst v63  }
0x20: {  	_ =	swait.ge [sflag:s4], $0x10  }
0x21: {  	[sflag:s4] =	ssyncset.done $0x0  }
0x22: {  	s15 =	sadd.s32 $0x3A00, s19;
	s16 =	simm.s32 $0x300;
	[sflag:s4] =	ssyncadd.s32 $0xFFFFFFF0  }
0x23: {  	[tilespmem:s16], [sflag:$0x1] =	stream.linear.gather [hbm4b:s15+s5], $0x10, $0x38;
	[tilespmem:$0x500] =	vst v63  }
0x24: {  	_ =	swait.ge [sflag:s4], $0x10  }
0x25: {  	[sflag:s4] =	ssyncset.done $0x0  }
0x26: {  	v0 =	vlaneseq.u32;
	s17 =	sadd.s32 $0x183A00, s19;
	s18 =	simm.s32 $0x400;
	vm0 =	vcmask $0x300;
	[sflag:s4] =	ssyncadd.s32 $0xFFFFFFF0  }
0x27: {  	v2 =	vimm.s32 $0x100;
	v1 =	vimm.s32 $0x1;
	v0 =	vmul.u32 $0x80, v0;
	[tilespmem:s18], [sflag:$0x1] =	stream.linear.gather [hbm4b:s17+s5], $0x80, $0x38;
	[tilespmem:$0x500] =	vst v63  }
0x28: {  	vm1 =	vcmask $0x704;
	v2 =	vsel vm0, $0x0, v2;
	_ =	swait.ge [sflag:s4], $0x80  }
0x29: {  	v3 =	vimm.s32 $0x180;
	v2 =	vsel vm1, $0x80, v2;
	[sflag:s4] =	ssyncset.done $0x0  }
0x2a: {  	v4 =	vsel vm0, $0x80, v3;
	v3 =	vimm.s32 $0x2;
	[sflag:s4] =	ssyncadd.s32 $0xFFFFFF80  }
0x2b: {  	v4 =	vsel vm1, $0x100, v4;
	v6 =	vld.msk [tilespmem:s18+$0x0], $0xffff  }
0x2c: {  	v7 =	vld.idx.msk [tilespmem:v1+s18+$0x0], $0xffff  }
0x2d: {  	v8 =	vld.idx.msk [tilespmem:v0+s5+$0x0], $0xffff  }
0x2e: {  	v9 =	vld.idx.msk [tilespmem:v2+s12+$0x0], $0xffff  }
0x2f: {  	v5 =	vimm.s32 $0x3;
	v10 =	vld.idx.msk [tilespmem:v3+s18+$0x0], $0xffff  }
0x30: {  	s20 =	ssub.s32 $0x2, s20;
	v11 =	vld.idx.msk [tilespmem:v4+s5+$0x0], $0xffff  }
0x31: {  	s21 =	sshrl.u32 s20, $0x1  }
0x32: {  	s20 =	ssub.s32 s20, s21  }
0x33: {  	s21 =	smax.u32 s20, $0x1;
	v6 =	vmul.f32 v6, v8;
	v7 =	vmul.f32 v7, v9  }
0x34: {  	p0 =	sne.s32 s21, $0x1;
	v8 =	vld.idx.msk [tilespmem:v5+s18+$0x0], $0xffff  }
.Ltmp1:
0x35: {  	v63 =	vmul.f32 v10, v11;
	v6 =	vadd.f32 v7, v6;
	(pc) =	sbr.rel @!p0 .LBB2_3-.Ltmp1, $3  }
0x36: {  	_ = 	snop  }
0x37: {  	v6 =	vadd.f32 v63, v6;
	_ =	sdelay $0x1  }
0x38: {  	s19 =	sadd.s32 $0x184000, s19;
	s20 =	simm.s32 $0x480;
	s21 =	sadd.s32 $0xFFFFFFFF, s21;
	v6 =	vadd.f32 v6, v8  }
.LBB2_2:
0x39: {  	_ = 	snop  }
0x3a: {  	p0 =	sne.s32 s21, $0x1;
	s21 =	sadd.s32 $0xFFFFFFFF, s21;
	[tilespmem:$0x480] =	vst v6  }
0x3b: {  	[hbm4b:s19+s5] =	stream.linear.scatter [tilespmem:s20], [sflag:$0x1], $0x80, $0x38;
	[tilespmem:$0x500] =	vst v63  }
0x3c: {  	_ =	swait.ge [sflag:s4], $0x80  }
0x3d: {  	[sflag:s4] =	ssyncset.done $0x0  }
0x3e: {  	[sflag:s4] =	ssyncadd.s32 $0xFFFFFF80  }
0x3f: {  	[tilespmem:s5], [sflag:$0x1] =	stream.linear.gather [hbm4b:s2+s5], $0x10, $0x38;
	[tilespmem:$0x500] =	vst v63  }
0x40: {  	_ =	swait.ge [sflag:s4], $0x10  }
0x41: {  	[sflag:s4] =	ssyncset.done $0x0  }
0x42: {  	[sflag:s4] =	ssyncadd.s32 $0xFFFFFFF0  }
0x43: {  	[tilespmem:s7], [sflag:$0x1] =	stream.linear.gather [hbm4b:s6+s5], $0x10, $0x38;
	[tilespmem:$0x500] =	vst v63  }
0x44: {  	_ =	swait.ge [sflag:s4], $0x10  }
0x45: {  	[sflag:s4] =	ssyncset.done $0x0  }
0x46: {  	[sflag:s4] =	ssyncadd.s32 $0xFFFFFFF0  }
0x47: {  	[tilespmem:s9], [sflag:$0x1] =	stream.linear.gather [hbm4b:s8+s5], $0x10, $0x38;
	[tilespmem:$0x500] =	vst v63  }
0x48: {  	_ =	swait.ge [sflag:s4], $0x10  }
0x49: {  	[sflag:s4] =	ssyncset.done $0x0  }
0x4a: {  	[sflag:s4] =	ssyncadd.s32 $0xFFFFFFF0  }
0x4b: {  	[tilespmem:s10], [sflag:$0x1] =	stream.linear.gather [hbm4b:s3+s5], $0x10, $0x38;
	[tilespmem:$0x500] =	vst v63  }
0x4c: {  	_ =	swait.ge [sflag:s4], $0x10  }
0x4d: {  	[sflag:s4] =	ssyncset.done $0x0  }
0x4e: {  	[sflag:s4] =	ssyncadd.s32 $0xFFFFFFF0  }
0x4f: {  	[tilespmem:s12], [sflag:$0x1] =	stream.linear.gather [hbm4b:s11+s5], $0x10, $0x38;
	[tilespmem:$0x500] =	vst v63  }
0x50: {  	_ =	swait.ge [sflag:s4], $0x10  }
0x51: {  	[sflag:s4] =	ssyncset.done $0x0  }
0x52: {  	[sflag:s4] =	ssyncadd.s32 $0xFFFFFFF0  }
0x53: {  	[tilespmem:s14], [sflag:$0x1] =	stream.linear.gather [hbm4b:s13+s5], $0x10, $0x38;
	[tilespmem:$0x500] =	vst v63  }
0x54: {  	_ =	swait.ge [sflag:s4], $0x10  }
0x55: {  	[sflag:s4] =	ssyncset.done $0x0  }
0x56: {  	[sflag:s4] =	ssyncadd.s32 $0xFFFFFFF0  }
0x57: {  	[tilespmem:s16], [sflag:$0x1] =	stream.linear.gather [hbm4b:s15+s5], $0x10, $0x38;
	[tilespmem:$0x500] =	vst v63  }
0x58: {  	_ =	swait.ge [sflag:s4], $0x10  }
0x59: {  	[sflag:s4] =	ssyncset.done $0x0  }
0x5a: {  	[sflag:s4] =	ssyncadd.s32 $0xFFFFFFF0  }
0x5b: {  	[tilespmem:s18], [sflag:$0x1] =	stream.linear.gather [hbm4b:s17+s5], $0x80, $0x38;
	[tilespmem:$0x500] =	vst v63  }
0x5c: {  	_ =	swait.ge [sflag:s4], $0x80  }
0x5d: {  	[sflag:s4] =	ssyncset.done $0x0  }
0x5e: {  	[sflag:s4] =	ssyncadd.s32 $0xFFFFFF80  }
0x5f: {  	v6 =	vld.idx.msk [tilespmem:v3+s18+$0x0], $0xffff  }
0x60: {  	v7 =	vld.msk [tilespmem:s18+$0x0], $0xffff  }
0x61: {  	v8 =	vld.idx.msk [tilespmem:v1+s18+$0x0], $0xffff  }
0x62: {  	v9 =	vld.idx.msk [tilespmem:v0+s5+$0x0], $0xffff  }
0x63: {  	v10 =	vld.idx.msk [tilespmem:v2+s12+$0x0], $0xffff  }
0x64: {  	v11 =	vld.idx.msk [tilespmem:v4+s5+$0x0], $0xffff;
	_ =	sdelay $0x3  }
0x65: {  	v7 =	vmul.f32 v7, v9;
	v12 =	vld.idx.msk [tilespmem:v5+s18+$0x0], $0xffff  }
0x66: {  	v8 =	vmul.f32 v8, v10  }
0x67: {  	v6 =	vmul.f32 v6, v11  }
.Ltmp2:
0x68: {  	v7 =	vadd.f32 v8, v7;
	(pc) =	sbr.rel @p0 .LBB2_2-.Ltmp2, $3  }
0x69: {  	_ = 	snop  }
0x6a: {  	v6 =	vadd.f32 v6, v7;
	_ =	sdelay $0x1  }
0x6b: {  	v6 =	vadd.f32 v6, v12  }
.LBB2_3:
0x6c: {  	_ = 	snop  }
0x6d: {  	[tilespmem:$0x480] =	vst v6  }
0x6e: {  	[hbm4b:s19+s5] =	stream.linear.scatter [tilespmem:s20], [sflag:$0x1], $0x80, $0x38;
	[tilespmem:$0x500] =	vst v63  }
0x6f: {  	_ =	swait.ge [sflag:s4], $0x80  }
0x70: {  	[sflag:s4] =	ssyncset.done $0x0  }
0x71: {  	[sflag:s4] =	ssyncadd.s32 $0xFFFFFF80  }
.LBB2_4:
0x72: {  	_ =	sfence.sel $0x180000  }
0x73: {  	[bflag:$0x0] =	sbarrier.arrive $0xFFFF  }
0x74: {  	p0 =	sne.s32 s0, $0x0;
	_ =	strace $0x90000047  }
0x75: {  	s0 =	sadd.s32 @!p0 $0x100000, s1;
	[bflag:$0x2] =	sbarrier.arrive $0xFFFF  }
0x76: {  	[sflag:s0] =	ssyncadd.tile.s32 @!p0 $0x1;
	_ =	shalt  }
.Lfunc_end2:
_tile_overlayer_lowered:
.L_overlay_start_2:
0x77: {  	(tag) =	ssettag $0x2  }
0x78: {  	s0 =	rddreg [dreg:$0x0];
	s2 =	stileid.u32  }
0x79: {  	s1 =	rddreg [dreg:$0x1];
	p0 =	sne.s32 s2, $0x0  }
0x7a: {  	s3 =	rddreg [dreg:$0x2];
	[bflag:$0x3] =	sbarrier.arrive $0xFFFF;
	s2 =	simm.s32 @!p0 $0x1C01  }
0x7b: {  	[timem:s3], [sflag:s2] =	dma.local @!p0 [hbm:s0], s1  }
0x7c: {  	s0 =	simm.s32 @!p0 $0x1  }
0x7d: {  	_ =	swait.ge @!p0 [sflag:s0], s1  }
0x7e: {  	s1 =	ssub.s32 @!p0 $0x0, s1;
	[sflag:s0] =	ssyncset.done @!p0 $0x0  }
0x7f: {  	[sflag:s0] =	ssyncadd.s32 @!p0 s1  }
0x80: {  	[bflag:$0x3] =	sbarrier.arrive $0xFFFF  }
0x81: {  	_ =	shalt  }

</sc_bundles>
